<compile_context>
chip_gen: v7x
topology: tpu7x:2x2x1
jax: 0.10.2.dev20260603
libtpu: 0.0.44.dev20260713+nightly
codegen_flags: <defaults>
</compile_context>

<pallas_src>
import functools

import jax
import jax.numpy as jnp
from jax import lax
from jax.experimental import pallas as pl
from jax.experimental.pallas import tpu as pltpu
from jax.experimental.pallas import tpu_sc as plsc

N = 10000
D = 128
H = 128
G = 64
E = 320000

NSC = 2
NTILE = 16
NW = NSC * NTILE
CH = 128
EP_CH = 79
EP = EP_CH * CH
ETOT = NW * EP
NPAD = 10240
RPT = NPAD // NTILE
ZR = 64

_EPS = 1e-5


DH = 64


def _sc_partials(h0, h1, src_g, dst_g):

  @functools.partial(
      pl.kernel,
      out_type=jax.ShapeDtypeStruct((NSC * 2 * NPAD, DH), jnp.float32),
      mesh=plsc.VectorSubcoreMesh(core_axis_name="c", subcore_axis_name="s"),
      compiler_params=pltpu.CompilerParams(use_tc_tiling_on_sc=False),
      scratch_types=[
          pltpu.VMEM((EP_CH, CH), jnp.int32),
          pltpu.VMEM((EP_CH, CH), jnp.int32),
          pltpu.VMEM((CH, DH), jnp.float32),
          pltpu.VMEM((CH, DH), jnp.float32),
          pltpu.VMEM((ZR, DH), jnp.float32),
          pltpu.VMEM_SHARED((NPAD, DH), jnp.float32),
          pltpu.SemaphoreType.DMA,
          pltpu.SemaphoreType.DMA,
      ],
  )
  def k(h0_hbm, h1_hbm, src_hbm, dst_hbm, out_hbm, src_v, dst_v, rows0,
        rows1, z_v, acc_sh, sem0, sem1):
    c = lax.axis_index("c")
    s = lax.axis_index("s")
    tile = c * NTILE + s

    def zrow(i, carry):
      for kk in range(DH // 16):
        z_v[i, pl.ds(kk * 16, 16)] = jnp.zeros((16,), jnp.float32)
      return carry

    lax.fori_loop(0, ZR, zrow, 0)

    pltpu.sync_copy(src_hbm.at[tile], src_v)
    pltpu.sync_copy(dst_hbm.at[tile], dst_v)

    for half in range(2):
      h_hbm = (h0_hbm, h1_hbm)[half]

      def zblk(j, carry):
        pltpu.sync_copy(z_v, acc_sh.at[pl.ds(s * RPT + j * ZR, ZR)])
        return carry

      lax.fori_loop(0, RPT // ZR, zblk, 0)

      plsc.subcore_barrier()

      def chunk2(jj, carry):
        j0 = jj * 2

        pltpu.make_async_copy(h_hbm.at[src_v.at[j0]], rows0, sem0).wait()
        pltpu.sync_copy(rows0, acc_sh.at[dst_v.at[j0]], add=True)

        @pl.when(j0 + 2 < EP_CH)
        def _():
          pltpu.async_copy(h_hbm.at[src_v.at[j0 + 2]], rows0, sem0)

        @pl.when(j0 + 1 < EP_CH)
        def _():
          pltpu.make_async_copy(h_hbm.at[src_v.at[j0 + 1]], rows1, sem1).wait()
          pltpu.sync_copy(rows1, acc_sh.at[dst_v.at[j0 + 1]], add=True)

        @pl.when(j0 + 3 < EP_CH)
        def _():
          pltpu.async_copy(h_hbm.at[src_v.at[j0 + 3]], rows1, sem1)

        return carry

      pltpu.async_copy(h_hbm.at[src_v.at[0]], rows0, sem0)
      pltpu.async_copy(h_hbm.at[src_v.at[1]], rows1, sem1)
      lax.fori_loop(0, (EP_CH + 1) // 2, chunk2, 0)

      plsc.subcore_barrier()
      pltpu.sync_copy(
          acc_sh.at[pl.ds(s * RPT, RPT)],
          out_hbm.at[pl.ds((c * 2 + half) * NPAD + s * RPT, RPT)])

  return k(h0, h1, src_g, dst_g)


def _bn_relu(y, g, b):
  m = jnp.mean(y, axis=0, keepdims=True)
  yc = y - m
  v = jnp.mean(yc * yc, axis=0, keepdims=True)
  return jnp.maximum(g * yc / jnp.sqrt(v + _EPS) + b, 0.0)


def _dot(a, b, precision=jax.lax.Precision.DEFAULT):
  return jax.lax.dot_general(
      a, b, (((1,), (0,)), ((), ())),
      precision=precision, preferred_element_type=jnp.float32)


def _agg(x_r, q0_r, q1_r, q2_r, q3_r):
  return x_r[...] + jnp.concatenate(
      [q0_r[...] + q2_r[...], q1_r[...] + q3_r[...]], axis=1)


def _mlp_kernel(x_r, q0_r, q1_r, q2_r, q3_r, w1_r, b1_r, g1_r, be1_r, w2_r,
                b2_r, g2_r, be2_r, out_r):
  z = _agg(x_r, q0_r, q1_r, q2_r, q3_r)
  y1 = _dot(z, w1_r[...]) + b1_r[...]
  z1 = _bn_relu(y1, g1_r[...], be1_r[...])
  y2 = _dot(z1, w2_r[...]) + b2_r[...]
  out_r[...] = _bn_relu(y2, g2_r[...], be2_r[...])


def _mlp_pool_kernel(x_r, q0_r, q1_r, q2_r, q3_r, w1_r, b1_r, g1_r, be1_r,
                     w2_r, b2_r, g2_r, be2_r, batch_r, wc1_r, bc1_r, gc_r,
                     bec_r, wc2_r, bc2_r, out_r, pooled_r, logits_r):
  z = _agg(x_r, q0_r, q1_r, q2_r, q3_r)
  y1 = _dot(z, w1_r[...]) + b1_r[...]
  z1 = _bn_relu(y1, g1_r[...], be1_r[...])
  y2 = _dot(z1, w2_r[...]) + b2_r[...]
  z2 = _bn_relu(y2, g2_r[...], be2_r[...])
  out_r[...] = z2

  gid = lax.broadcasted_iota(jnp.int32, (G, N), 0)
  onehot = (gid == batch_r[...]).astype(jnp.float32)
  sums = _dot(onehot, z2, precision=jax.lax.Precision.HIGHEST)
  cnt = jnp.sum(onehot, axis=1, keepdims=True)
  pooled = sums / jnp.maximum(cnt, 1.0)
  pooled_r[...] = pooled

  hh = _dot(pooled, wc1_r[...]) + bc1_r[...]
  hh = _bn_relu(hh, gc_r[...], bec_r[...])
  logits_r[...] = _dot(hh, wc2_r[...]) + bc2_r[...]


def kernel(x, edge_index, batch, params):
  pad = ETOT - E
  src_g = jnp.concatenate(
      [edge_index[0], jnp.zeros((pad,), jnp.int32)]).reshape(NW, EP_CH, CH)
  dst_g = jnp.concatenate(
      [edge_index[1],
       N + (jnp.arange(pad, dtype=jnp.int32) % (NPAD - N))]
  ).reshape(NW, EP_CH, CH)

  c1, c2 = params['c1'], params['c2']
  row = lambda v: v.reshape(1, -1)

  mlp = pl.pallas_call(
      _mlp_kernel,
      out_shape=jax.ShapeDtypeStruct((N, H), jnp.float32),
  )
  wc2p = jnp.zeros((64, 128), jnp.float32).at[:, :2].set(params['Wc2'])
  bc2p = jnp.zeros((1, 128), jnp.float32).at[0, :2].set(params['bc2'])

  mlp_pool = pl.pallas_call(
      _mlp_pool_kernel,
      out_shape=[
          jax.ShapeDtypeStruct((N, H), jnp.float32),
          jax.ShapeDtypeStruct((G, H), jnp.float32),
          jax.ShapeDtypeStruct((G, 128), jnp.float32),
      ],
  )

  quarters = lambda p: tuple(p[i * NPAD:i * NPAD + N] for i in range(4))

  p1 = _sc_partials(x[:, :DH], x[:, DH:], src_g, dst_g)
  out1 = mlp(x, *quarters(p1),
             c1['W1'], row(c1['b1']), row(c1['g1']), row(c1['be1']),
             c1['W2'], row(c1['b2']), row(c1['g2']), row(c1['be2']))

  p2 = _sc_partials(out1[:, :DH], out1[:, DH:], src_g, dst_g)
  out2, pooled, logits_p = mlp_pool(
      out1, *quarters(p2),
      c2['W1'], row(c2['b1']), row(c2['g1']), row(c2['be1']),
      c2['W2'], row(c2['b2']), row(c2['g2']), row(c2['be2']),
      batch.reshape(1, N),
      params['Wc1'], row(params['bc1']), row(params['gc']), row(params['bec']),
      wc2p, bc2p)

  logits = logits_p[:, :2]
  return (logits, {'conv1': out1, 'conv2': out2, 'pooled': pooled})

# --- scband reference (transcript-rebuilt; emitter-appended) ---
"""Pipeline reference for scband-eeggnnwith-features-11622181503561 (READ-ONLY COPY).

The authoritative reference and input builder live on the scoring server;
editing this copy changes nothing except your own understanding.
"""

import jax, jax.numpy as jnp
import numpy as np

N = 10000
E = 320000
D = 128
H = 128
G = 64


def _make_params(key):
    ks = jax.random.split(key, 16)
    def lin(k, fan_in, fan_out):
        return jax.random.normal(k, (fan_in, fan_out), dtype=jnp.float32) * (1.0 / np.sqrt(fan_in))
    params = {
        'c1': {
            'W1': lin(ks[0], D, H), 'b1': jnp.zeros((H,), jnp.float32),
            'g1': jnp.ones((H,), jnp.float32), 'be1': jnp.zeros((H,), jnp.float32),
            'W2': lin(ks[1], H, H), 'b2': jnp.zeros((H,), jnp.float32),
            'g2': jnp.ones((H,), jnp.float32), 'be2': jnp.zeros((H,), jnp.float32),
        },
        'c2': {
            'W1': lin(ks[2], H, H), 'b1': jnp.zeros((H,), jnp.float32),
            'g1': jnp.ones((H,), jnp.float32), 'be1': jnp.zeros((H,), jnp.float32),
            'W2': lin(ks[3], H, H), 'b2': jnp.zeros((H,), jnp.float32),
            'g2': jnp.ones((H,), jnp.float32), 'be2': jnp.zeros((H,), jnp.float32),
        },
        'Wc1': lin(ks[4], H, 64), 'bc1': jnp.zeros((64,), jnp.float32),
        'gc': jnp.ones((64,), jnp.float32), 'bec': jnp.zeros((64,), jnp.float32),
        'Wc2': lin(ks[5], 64, 2), 'bc2': jnp.zeros((2,), jnp.float32),
    }
    return params


def setup_inputs(seed: int = 0):
    key = jax.random.key(seed)
    k0, k1, k2, kp = jax.random.split(key, 4)
    x = jax.random.normal(k0, (N, D), dtype=jnp.float32)
    edge_index = jax.random.randint(k1, (2, E), 0, N, dtype=jnp.int32)
    batch = jnp.sort(jax.random.randint(k2, (N,), 0, G, dtype=jnp.int32))
    params = _make_params(kp)
    return {'x': x, 'edge_index': edge_index, 'batch': batch, 'params': params}


def reference(x, edge_index, batch, params):
    def bn(h, g, b):
        m = jnp.mean(h, axis=0)
        v = jnp.var(h, axis=0)
        return g * (h - m) / jnp.sqrt(v + 1e-5) + b

    def gin_conv(h, p):
        src = edge_index[0]
        dst = edge_index[1]
        # GIN sum aggregation of neighbor messages (eps = 0)
        agg = jax.ops.segment_sum(h[src], dst, num_segments=h.shape[0])
        z = h + agg
        z = jax.nn.relu(bn(z @ p['W1'] + p['b1'], p['g1'], p['be1']))
        z = jax.nn.relu(bn(z @ p['W2'] + p['b2'], p['g2'], p['be2']))
        return z

    out1 = gin_conv(x, params['c1'])
    out1_act = jax.nn.relu(out1)
    out2 = gin_conv(out1_act, params['c2'])
    out2_act = jax.nn.relu(out2)
    sums = jax.ops.segment_sum(out2_act, batch, num_segments=G)
    cnt = jax.ops.segment_sum(jnp.ones((x.shape[0],), jnp.float32), batch, num_segments=G)
    pooled = sums / jnp.maximum(cnt, 1.0)[:, None]
    h = jax.nn.relu(bn(pooled @ params['Wc1'] + params['bc1'], params['gc'], params['bec']))
    # dropout is identity in eval mode
    logits = h @ params['Wc2'] + params['bc2']
    return (logits, {'conv1': out1_act, 'conv2': out2_act, 'pooled': pooled})

if __name__ == "__main__":
    import jax
    _d = setup_inputs()
    print(jax.jit(kernel)(*tuple(_d.values())))

</pallas_src>

<mosaic_0001>
#map = affine_map<(d0, d1) -> (0, 0)>
#map1 = affine_map<(d0, d1) -> (0, 0, 0)>
module attributes {stable_mosaic.version = 14 : i64} {
  func.func @k(%arg0: i32, %arg1: i32, %arg2: memref<10000x64xf32, #tpu.memory_space<hbm>>, %arg3: memref<10000x64xf32, #tpu.memory_space<hbm>>, %arg4: memref<32x79x128xi32, #tpu.memory_space<hbm>>, %arg5: memref<32x79x128xi32, #tpu.memory_space<hbm>>, %arg6: memref<40960x64xf32, #tpu.memory_space<hbm>>, %arg7: memref<79x128xi32, #tpu.memory_space<vmem>>, %arg8: memref<79x128xi32, #tpu.memory_space<vmem>>, %arg9: memref<128x64xf32, #tpu.memory_space<vmem>>, %arg10: memref<128x64xf32, #tpu.memory_space<vmem>>, %arg11: memref<64x64xf32, #tpu.memory_space<vmem>>, %arg12: memref<10240x64xf32, #tpu.memory_space<vmem_shared>>, %arg13: memref<!tpu.dma_semaphore, #tpu.memory_space<semaphore_mem>>, %arg14: memref<!tpu.dma_semaphore, #tpu.memory_space<semaphore_mem>>) attributes {dimension_semantics = [#tpu.dimension_semantics<core_parallel>, #tpu.dimension_semantics<subcore_parallel>], iteration_bounds = array<i64: 2, 16>, scalar_prefetch = 0 : i64, scratch_operands = 8 : i64, tpu.core_type = #tpu.core_type<sc_vector_subcore>, window_params = [{transform_indices = #map}, {transform_indices = #map}, {transform_indices = #map1}, {transform_indices = #map1}, {transform_indices = #map}]} {
    %mul3A = arith.constant 16 : i32
    %mul3A_0 = arith.muli %arg0, %mul3A : i32
    %add3A = arith.addi %mul3A_0, %arg1 : i32
    %scan3A = arith.constant 0 : i32
    %scan3A_1 = arith.constant 0 : i32
    %scan3A_2 = arith.constant 64 : i32
    %scan3A_3 = arith.addi %scan3A_1, %scan3A_2 : i32
    %scan3A_4 = arith.constant 1 : i32
    scf.for %scan3A_82 = %scan3A_1 to %scan3A_3 step %scan3A_4  : i32 {
      %broadcast_in_dim3A = arith.constant 0.000000e+00 : f32
      %broadcast_in_dim3A_83 = vector.broadcast %broadcast_in_dim3A : f32 to vector<16xf32>
      %swap3A = arith.index_cast %scan3A_82 : i32 to index
      %swap3A_84 = arith.constant 0 : index
      %swap3A_85 = tpu.vector_load %arg11[%swap3A, %swap3A_84] {strides = array<i32>} : memref<64x64xf32, #tpu.memory_space<vmem>>, vector<1x16xf32>,
      %swap3A_86 = vector.shape_cast %swap3A_85 : vector<1x16xf32> to vector<16xf32>
      %swap3A_87 = vector.shape_cast %broadcast_in_dim3A_83 : vector<16xf32> to vector<1x16xf32>
      tpu.vector_store %arg11[%swap3A, %swap3A_84], %swap3A_87 {strides = array<i32>} : memref<64x64xf32, #tpu.memory_space<vmem>>, vector<1x16xf32>,
      %broadcast_in_dim3A_88 = arith.constant 0.000000e+00 : f32
      %broadcast_in_dim3A_89 = vector.broadcast %broadcast_in_dim3A_88 : f32 to vector<16xf32>
      %swap3A_90 = arith.index_cast %scan3A_82 : i32 to index
      %swap3A_91 = arith.constant 16 : index
      %swap3A_92 = tpu.vector_load %arg11[%swap3A_90, %swap3A_91] {strides = array<i32>} : memref<64x64xf32, #tpu.memory_space<vmem>>, vector<1x16xf32>,
      %swap3A_93 = vector.shape_cast %swap3A_92 : vector<1x16xf32> to vector<16xf32>
      %swap3A_94 = vector.shape_cast %broadcast_in_dim3A_89 : vector<16xf32> to vector<1x16xf32>
      tpu.vector_store %arg11[%swap3A_90, %swap3A_91], %swap3A_94 {strides = array<i32>} : memref<64x64xf32, #tpu.memory_space<vmem>>, vector<1x16xf32>,
      %broadcast_in_dim3A_95 = arith.constant 0.000000e+00 : f32
      %broadcast_in_dim3A_96 = vector.broadcast %broadcast_in_dim3A_95 : f32 to vector<16xf32>
      %swap3A_97 = arith.index_cast %scan3A_82 : i32 to index
      %swap3A_98 = arith.constant 32 : index
      %swap3A_99 = tpu.vector_load %arg11[%swap3A_97, %swap3A_98] {strides = array<i32>} : memref<64x64xf32, #tpu.memory_space<vmem>>, vector<1x16xf32>,
      %swap3A_100 = vector.shape_cast %swap3A_99 : vector<1x16xf32> to vector<16xf32>
      %swap3A_101 = vector.shape_cast %broadcast_in_dim3A_96 : vector<16xf32> to vector<1x16xf32>
      tpu.vector_store %arg11[%swap3A_97, %swap3A_98], %swap3A_101 {strides = array<i32>} : memref<64x64xf32, #tpu.memory_space<vmem>>, vector<1x16xf32>,
      %broadcast_in_dim3A_102 = arith.constant 0.000000e+00 : f32
      %broadcast_in_dim3A_103 = vector.broadcast %broadcast_in_dim3A_102 : f32 to vector<16xf32>
      %swap3A_104 = arith.index_cast %scan3A_82 : i32 to index
      %swap3A_105 = arith.constant 48 : index
      %swap3A_106 = tpu.vector_load %arg11[%swap3A_104, %swap3A_105] {strides = array<i32>} : memref<64x64xf32, #tpu.memory_space<vmem>>, vector<1x16xf32>,
      %swap3A_107 = vector.shape_cast %swap3A_106 : vector<1x16xf32> to vector<16xf32>
      %swap3A_108 = vector.shape_cast %broadcast_in_dim3A_103 : vector<16xf32> to vector<1x16xf32>
      tpu.vector_store %arg11[%swap3A_104, %swap3A_105], %swap3A_108 {strides = array<i32>} : memref<64x64xf32, #tpu.memory_space<vmem>>, vector<1x16xf32>,
    }
    %scan3A_5 = arith.constant 64 : i32
    "tpu.region"() ({
      %run_scoped3A = tpu.sem_alloc : memref<!tpu.dma_semaphore, #tpu.memory_space<semaphore_mem>>
      %dma_start3A_82 = arith.constant 0 : i32
      %dma_start3A_83 = arith.constant 0 : i32
      %dma_start3A_84 = tpu.memref_slice %arg4[%add3A, %dma_start3A_82, %dma_start3A_83] : memref<32x79x128xi32, #tpu.memory_space<hbm>> -> memref<1x79x128xi32, #tpu.memory_space<hbm>>
      %dma_start3A_85 = tpu.memref_squeeze %dma_start3A_84 : memref<1x79x128xi32, #tpu.memory_space<hbm>> -> memref<79x128xi32, #tpu.memory_space<hbm>>
      %dma_start3A_86 = arith.constant 0 : i32
      %dma_start3A_87 = arith.constant 0 : i32
      %dma_start3A_88 = tpu.memref_slice %arg4[%add3A, %dma_start3A_86, %dma_start3A_87] : memref<32x79x128xi32, #tpu.memory_space<hbm>> -> memref<1x79x128xi32, #tpu.memory_space<hbm>>
      %dma_start3A_89 = tpu.memref_squeeze %dma_start3A_88 : memref<1x79x128xi32, #tpu.memory_space<hbm>> -> memref<79x128xi32, #tpu.memory_space<hbm>>
      tpu.enqueue_dma source(%dma_start3A_89 : memref<79x128xi32, #tpu.memory_space<hbm>>) target(%arg7 : memref<79x128xi32, #tpu.memory_space<vmem>>) target_semaphore(%run_scoped3A : memref<!tpu.dma_semaphore, #tpu.memory_space<semaphore_mem>>)
      %dma_wait3A = arith.constant 0 : i32
      %dma_wait3A_90 = arith.constant 0 : i32
      %dma_wait3A_91 = tpu.memref_slice %arg4[%add3A, %dma_wait3A, %dma_wait3A_90] : memref<32x79x128xi32, #tpu.memory_space<hbm>> -> memref<1x79x128xi32, #tpu.memory_space<hbm>>
      %dma_wait3A_92 = tpu.memref_squeeze %dma_wait3A_91 : memref<1x79x128xi32, #tpu.memory_space<hbm>> -> memref<79x128xi32, #tpu.memory_space<hbm>>
      %dma_wait3A_93 = arith.constant 0 : i32
      %dma_wait3A_94 = arith.constant 0 : i32
      %dma_wait3A_95 = tpu.memref_slice %arg4[%add3A, %dma_wait3A_93, %dma_wait3A_94] : memref<32x79x128xi32, #tpu.memory_space<hbm>> -> memref<1x79x128xi32, #tpu.memory_space<hbm>>
      %dma_wait3A_96 = tpu.memref_squeeze %dma_wait3A_95 : memref<1x79x128xi32, #tpu.memory_space<hbm>> -> memref<79x128xi32, #tpu.memory_space<hbm>>
      tpu.wait_dma2 semaphore(%run_scoped3A : memref<!tpu.dma_semaphore, #tpu.memory_space<semaphore_mem>>) src(%dma_wait3A_96 : memref<79x128xi32, #tpu.memory_space<hbm>>) dst(%arg7 : memref<79x128xi32, #tpu.memory_space<vmem>>)
      tpu.yield
    }) : () -> ()
    "tpu.region"() ({
      %run_scoped3A = tpu.sem_alloc : memref<!tpu.dma_semaphore, #tpu.memory_space<semaphore_mem>>
      %dma_start3A_82 = arith.constant 0 : i32
      %dma_start3A_83 = arith.constant 0 : i32
      %dma_start3A_84 = tpu.memref_slice %arg5[%add3A, %dma_start3A_82, %dma_start3A_83] : memref<32x79x128xi32, #tpu.memory_space<hbm>> -> memref<1x79x128xi32, #tpu.memory_space<hbm>>
      %dma_start3A_85 = tpu.memref_squeeze %dma_start3A_84 : memref<1x79x128xi32, #tpu.memory_space<hbm>> -> memref<79x128xi32, #tpu.memory_space<hbm>>
      %dma_start3A_86 = arith.constant 0 : i32
      %dma_start3A_87 = arith.constant 0 : i32
      %dma_start3A_88 = tpu.memref_slice %arg5[%add3A, %dma_start3A_86, %dma_start3A_87] : memref<32x79x128xi32, #tpu.memory_space<hbm>> -> memref<1x79x128xi32, #tpu.memory_space<hbm>>
      %dma_start3A_89 = tpu.memref_squeeze %dma_start3A_88 : memref<1x79x128xi32, #tpu.memory_space<hbm>> -> memref<79x128xi32, #tpu.memory_space<hbm>>
      tpu.enqueue_dma source(%dma_start3A_89 : memref<79x128xi32, #tpu.memory_space<hbm>>) target(%arg8 : memref<79x128xi32, #tpu.memory_space<vmem>>) target_semaphore(%run_scoped3A : memref<!tpu.dma_semaphore, #tpu.memory_space<semaphore_mem>>)
      %dma_wait3A = arith.constant 0 : i32
      %dma_wait3A_90 = arith.constant 0 : i32
      %dma_wait3A_91 = tpu.memref_slice %arg5[%add3A, %dma_wait3A, %dma_wait3A_90] : memref<32x79x128xi32, #tpu.memory_space<hbm>> -> memref<1x79x128xi32, #tpu.memory_space<hbm>>
      %dma_wait3A_92 = tpu.memref_squeeze %dma_wait3A_91 : memref<1x79x128xi32, #tpu.memory_space<hbm>> -> memref<79x128xi32, #tpu.memory_space<hbm>>
      %dma_wait3A_93 = arith.constant 0 : i32
      %dma_wait3A_94 = arith.constant 0 : i32
      %dma_wait3A_95 = tpu.memref_slice %arg5[%add3A, %dma_wait3A_93, %dma_wait3A_94] : memref<32x79x128xi32, #tpu.memory_space<hbm>> -> memref<1x79x128xi32, #tpu.memory_space<hbm>>
      %dma_wait3A_96 = tpu.memref_squeeze %dma_wait3A_95 : memref<1x79x128xi32, #tpu.memory_space<hbm>> -> memref<79x128xi32, #tpu.memory_space<hbm>>
      tpu.wait_dma2 semaphore(%run_scoped3A : memref<!tpu.dma_semaphore, #tpu.memory_space<semaphore_mem>>) src(%dma_wait3A_96 : memref<79x128xi32, #tpu.memory_space<hbm>>) dst(%arg8 : memref<79x128xi32, #tpu.memory_space<vmem>>)
      tpu.yield
    }) : () -> ()
    %scan3A_6 = arith.constant 0 : i32
    %scan3A_7 = arith.constant 0 : i32
    %scan3A_8 = arith.constant 10 : i32
    %scan3A_9 = arith.addi %scan3A_7, %scan3A_8 : i32
    %scan3A_10 = arith.constant 1 : i32
    scf.for %scan3A_82 = %scan3A_7 to %scan3A_9 step %scan3A_10  : i32 {
      %mul3A_83 = arith.constant 640 : i32
      %mul3A_84 = arith.muli %arg1, %mul3A_83 : i32
      %mul3A_85 = arith.constant 64 : i32
      %mul3A_86 = arith.muli %scan3A_82, %mul3A_85 : i32
      %add3A_87 = arith.addi %mul3A_84, %mul3A_86 : i32
      "tpu.region"() ({
        %run_scoped3A = tpu.sem_alloc : memref<!tpu.dma_semaphore, #tpu.memory_space<semaphore_mem>>
        %dma_start3A_88 = arith.constant 0 : i32
        %dma_start3A_89 = tpu.memref_slice %arg12[%add3A_87, %dma_start3A_88] : memref<10240x64xf32, #tpu.memory_space<vmem_shared>> -> memref<64x64xf32, #tpu.memory_space<vmem_shared>>
        %dma_start3A_90 = arith.constant 0 : i32
        %dma_start3A_91 = tpu.memref_slice %arg12[%add3A_87, %dma_start3A_90] : memref<10240x64xf32, #tpu.memory_space<vmem_shared>> -> memref<64x64xf32, #tpu.memory_space<vmem_shared>>
        tpu.enqueue_dma source(%arg11 : memref<64x64xf32, #tpu.memory_space<vmem>>) target(%dma_start3A_91 : memref<64x64xf32, #tpu.memory_space<vmem_shared>>) target_semaphore(%run_scoped3A : memref<!tpu.dma_semaphore, #tpu.memory_space<semaphore_mem>>)
        %dma_wait3A = arith.constant 0 : i32
        %dma_wait3A_92 = tpu.memref_slice %arg12[%add3A_87, %dma_wait3A] : memref<10240x64xf32, #tpu.memory_space<vmem_shared>> -> memref<64x64xf32, #tpu.memory_space<vmem_shared>>
        %dma_wait3A_93 = arith.constant 0 : i32
        %dma_wait3A_94 = tpu.memref_slice %arg12[%add3A_87, %dma_wait3A_93] : memref<10240x64xf32, #tpu.memory_space<vmem_shared>> -> memref<64x64xf32, #tpu.memory_space<vmem_shared>>
        tpu.wait_dma2 semaphore(%run_scoped3A : memref<!tpu.dma_semaphore, #tpu.memory_space<semaphore_mem>>) src(%arg11 : memref<64x64xf32, #tpu.memory_space<vmem>>) dst(%dma_wait3A_94 : memref<64x64xf32, #tpu.memory_space<vmem_shared>>)
        tpu.yield
      }) : () -> ()
    }
    %scan3A_11 = arith.constant 10 : i32
    %barrier3A = arith.constant 0 : index
    tpu.barrier barrier_id(%barrier3A)
    %dma_start3A = arith.constant 0 : i32
    %dma_start3A_12 = arith.constant 0 : i32
    %dma_start3A_13 = tpu.memref_slice %arg7[%dma_start3A, %dma_start3A_12] : memref<79x128xi32, #tpu.memory_space<vmem>> -> memref<1x128xi32, #tpu.memory_space<vmem>>
    %dma_start3A_14 = tpu.memref_squeeze %dma_start3A_13 : memref<1x128xi32, #tpu.memory_space<vmem>> -> memref<128xi32, #tpu.memory_space<vmem>>
    %dma_start3A_15 = arith.constant 0 : i32
    %dma_start3A_16 = arith.constant 0 : i32
    %dma_start3A_17 = tpu.memref_slice %arg2[%dma_start3A_15, %dma_start3A_16] : memref<10000x64xf32, #tpu.memory_space<hbm>> -> memref<10000x64xf32, #tpu.memory_space<hbm>>
    tpu.enqueue_indirect_dma source(%dma_start3A_17 : memref<10000x64xf32, #tpu.memory_space<hbm>>) target(%arg9 : memref<128x64xf32, #tpu.memory_space<vmem>>) offsets(%dma_start3A_14 : memref<128xi32, #tpu.memory_space<vmem>>) semaphore(%arg13 : memref<!tpu.dma_semaphore, #tpu.memory_space<semaphore_mem>>)
    %dma_start3A_18 = arith.constant 1 : i32
    %dma_start3A_19 = arith.constant 0 : i32
    %dma_start3A_20 = tpu.memref_slice %arg7[%dma_start3A_18, %dma_start3A_19] : memref<79x128xi32, #tpu.memory_space<vmem>> -> memref<1x128xi32, #tpu.memory_space<vmem>>
    %dma_start3A_21 = tpu.memref_squeeze %dma_start3A_20 : memref<1x128xi32, #tpu.memory_space<vmem>> -> memref<128xi32, #tpu.memory_space<vmem>>
    %dma_start3A_22 = arith.constant 0 : i32
    %dma_start3A_23 = arith.constant 0 : i32
    %dma_start3A_24 = tpu.memref_slice %arg2[%dma_start3A_22, %dma_start3A_23] : memref<10000x64xf32, #tpu.memory_space<hbm>> -> memref<10000x64xf32, #tpu.memory_space<hbm>>
    tpu.enqueue_indirect_dma source(%dma_start3A_24 : memref<10000x64xf32, #tpu.memory_space<hbm>>) target(%arg10 : memref<128x64xf32, #tpu.memory_space<vmem>>) offsets(%dma_start3A_21 : memref<128xi32, #tpu.memory_space<vmem>>) semaphore(%arg14 : memref<!tpu.dma_semaphore, #tpu.memory_space<semaphore_mem>>)
    %scan3A_25 = arith.constant 0 : i32
    %scan3A_26 = arith.constant 0 : i32
    %scan3A_27 = arith.constant 40 : i32
    %scan3A_28 = arith.addi %scan3A_26, %scan3A_27 : i32
    %scan3A_29 = arith.constant 1 : i32
    scf.for %scan3A_82 = %scan3A_26 to %scan3A_28 step %scan3A_29  : i32 {
      %mul3A_83 = arith.constant 2 : i32
      %mul3A_84 = arith.muli %scan3A_82, %mul3A_83 : i32
      %dma_wait3A = arith.constant 0 : i32
      %dma_wait3A_85 = tpu.memref_slice %arg7[%mul3A_84, %dma_wait3A] : memref<79x128xi32, #tpu.memory_space<vmem>> -> memref<1x128xi32, #tpu.memory_space<vmem>>
      %dma_wait3A_86 = tpu.memref_squeeze %dma_wait3A_85 : memref<1x128xi32, #tpu.memory_space<vmem>> -> memref<128xi32, #tpu.memory_space<vmem>>
      %dma_wait3A_87 = arith.constant 0 : i32
      %dma_wait3A_88 = arith.constant 0 : i32
      %dma_wait3A_89 = tpu.memref_slice %arg2[%dma_wait3A_87, %dma_wait3A_88] : memref<10000x64xf32, #tpu.memory_space<hbm>> -> memref<10000x64xf32, #tpu.memory_space<hbm>>
      tpu.wait_indirect_dma semaphore(%arg13 : memref<!tpu.dma_semaphore, #tpu.memory_space<semaphore_mem>>) src(%dma_wait3A_89 : memref<10000x64xf32, #tpu.memory_space<hbm>>) dst(%arg9 : memref<128x64xf32, #tpu.memory_space<vmem>>)
      "tpu.region"() ({
        %run_scoped3A = tpu.sem_alloc : memref<!tpu.dma_semaphore, #tpu.memory_space<semaphore_mem>>
        %dma_start3A_108 = arith.constant 0 : i32
        %dma_start3A_109 = tpu.memref_slice %arg8[%mul3A_84, %dma_start3A_108] : memref<79x128xi32, #tpu.memory_space<vmem>> -> memref<1x128xi32, #tpu.memory_space<vmem>>
        %dma_start3A_110 = tpu.memref_squeeze %dma_start3A_109 : memref<1x128xi32, #tpu.memory_space<vmem>> -> memref<128xi32, #tpu.memory_space<vmem>>
        %dma_start3A_111 = arith.constant 0 : i32
        %dma_start3A_112 = arith.constant 0 : i32
        %dma_start3A_113 = tpu.memref_slice %arg12[%dma_start3A_111, %dma_start3A_112] : memref<10240x64xf32, #tpu.memory_space<vmem_shared>> -> memref<10240x64xf32, #tpu.memory_space<vmem_shared>>
        tpu.enqueue_indirect_dma source(%arg9 : memref<128x64xf32, #tpu.memory_space<vmem>>) target(%dma_start3A_113 : memref<10240x64xf32, #tpu.memory_space<vmem_shared>>) offsets(%dma_start3A_110 : memref<128xi32, #tpu.memory_space<vmem>>) semaphore(%run_scoped3A : memref<!tpu.dma_semaphore, #tpu.memory_space<semaphore_mem>>) {add = true}
        %dma_wait3A_114 = arith.constant 0 : i32
        %dma_wait3A_115 = tpu.memref_slice %arg8[%mul3A_84, %dma_wait3A_114] : memref<79x128xi32, #tpu.memory_space<vmem>> -> memref<1x128xi32, #tpu.memory_space<vmem>>
        %dma_wait3A_116 = tpu.memref_squeeze %dma_wait3A_115 : memref<1x128xi32, #tpu.memory_space<vmem>> -> memref<128xi32, #tpu.memory_space<vmem>>
        %dma_wait3A_117 = arith.constant 0 : i32
        %dma_wait3A_118 = arith.constant 0 : i32
        %dma_wait3A_119 = tpu.memref_slice %arg12[%dma_wait3A_117, %dma_wait3A_118] : memref<10240x64xf32, #tpu.memory_space<vmem_shared>> -> memref<10240x64xf32, #tpu.memory_space<vmem_shared>>
        tpu.wait_indirect_dma semaphore(%run_scoped3A : memref<!tpu.dma_semaphore, #tpu.memory_space<semaphore_mem>>) src(%arg9 : memref<128x64xf32, #tpu.memory_space<vmem>>) dst(%dma_wait3A_119 : memref<10240x64xf32, #tpu.memory_space<vmem_shared>>)
        tpu.yield
      }) : () -> ()
      %add3A_90 = arith.constant 2 : i32
      %add3A_91 = arith.addi %mul3A_84, %add3A_90 : i32
      %lt3A = arith.constant 79 : i32
      %lt3A_92 = arith.cmpi slt, %add3A_91, %lt3A : i32
      %convert_element_type3A = arith.extui %lt3A_92 : i1 to i32
      %cond3A = arith.constant 0 : i32
      %cond3A_93 = arith.cmpi ne, %convert_element_type3A, %cond3A : i32
      scf.if %cond3A_93 {
        %add3A_108 = arith.constant 2 : i32
        %add3A_109 = arith.addi %mul3A_84, %add3A_108 : i32
        %dma_start3A_110 = arith.constant 0 : i32
        %dma_start3A_111 = tpu.memref_slice %arg7[%add3A_109, %dma_start3A_110] : memref<79x128xi32, #tpu.memory_space<vmem>> -> memref<1x128xi32, #tpu.memory_space<vmem>>
        %dma_start3A_112 = tpu.memref_squeeze %dma_start3A_111 : memref<1x128xi32, #tpu.memory_space<vmem>> -> memref<128xi32, #tpu.memory_space<vmem>>
        %dma_start3A_113 = arith.constant 0 : i32
        %dma_start3A_114 = arith.constant 0 : i32
        %dma_start3A_115 = tpu.memref_slice %arg2[%dma_start3A_113, %dma_start3A_114] : memref<10000x64xf32, #tpu.memory_space<hbm>> -> memref<10000x64xf32, #tpu.memory_space<hbm>>
        tpu.enqueue_indirect_dma source(%dma_start3A_115 : memref<10000x64xf32, #tpu.memory_space<hbm>>) target(%arg9 : memref<128x64xf32, #tpu.memory_space<vmem>>) offsets(%dma_start3A_112 : memref<128xi32, #tpu.memory_space<vmem>>) semaphore(%arg13 : memref<!tpu.dma_semaphore, #tpu.memory_space<semaphore_mem>>)
      } else {
      }
      %add3A_94 = arith.constant 1 : i32
      %add3A_95 = arith.addi %mul3A_84, %add3A_94 : i32
      %lt3A_96 = arith.constant 79 : i32
      %lt3A_97 = arith.cmpi slt, %add3A_95, %lt3A_96 : i32
      %convert_element_type3A_98 = arith.extui %lt3A_97 : i1 to i32
      %cond3A_99 = arith.constant 0 : i32
      %cond3A_100 = arith.cmpi ne, %convert_element_type3A_98, %cond3A_99 : i32
      scf.if %cond3A_100 {
        %add3A_108 = arith.constant 1 : i32
        %add3A_109 = arith.addi %mul3A_84, %add3A_108 : i32
        %dma_wait3A_110 = arith.constant 0 : i32
        %dma_wait3A_111 = tpu.memref_slice %arg7[%add3A_109, %dma_wait3A_110] : memref<79x128xi32, #tpu.memory_space<vmem>> -> memref<1x128xi32, #tpu.memory_space<vmem>>
        %dma_wait3A_112 = tpu.memref_squeeze %dma_wait3A_111 : memref<1x128xi32, #tpu.memory_space<vmem>> -> memref<128xi32, #tpu.memory_space<vmem>>
        %dma_wait3A_113 = arith.constant 0 : i32
        %dma_wait3A_114 = arith.constant 0 : i32
        %dma_wait3A_115 = tpu.memref_slice %arg2[%dma_wait3A_113, %dma_wait3A_114] : memref<10000x64xf32, #tpu.memory_space<hbm>> -> memref<10000x64xf32, #tpu.memory_space<hbm>>
        tpu.wait_indirect_dma semaphore(%arg14 : memref<!tpu.dma_semaphore, #tpu.memory_space<semaphore_mem>>) src(%dma_wait3A_115 : memref<10000x64xf32, #tpu.memory_space<hbm>>) dst(%arg10 : memref<128x64xf32, #tpu.memory_space<vmem>>)
        %add3A_116 = arith.constant 1 : i32
        %add3A_117 = arith.addi %mul3A_84, %add3A_116 : i32
        "tpu.region"() ({
          %run_scoped3A = tpu.sem_alloc : memref<!tpu.dma_semaphore, #tpu.memory_space<semaphore_mem>>
          %dma_start3A_118 = arith.constant 0 : i32
          %dma_start3A_119 = tpu.memref_slice %arg8[%add3A_117, %dma_start3A_118] : memref<79x128xi32, #tpu.memory_space<vmem>> -> memref<1x128xi32, #tpu.memory_space<vmem>>
          %dma_start3A_120 = tpu.memref_squeeze %dma_start3A_119 : memref<1x128xi32, #tpu.memory_space<vmem>> -> memref<128xi32, #tpu.memory_space<vmem>>
          %dma_start3A_121 = arith.constant 0 : i32
          %dma_start3A_122 = arith.constant 0 : i32
          %dma_start3A_123 = tpu.memref_slice %arg12[%dma_start3A_121, %dma_start3A_122] : memref<10240x64xf32, #tpu.memory_space<vmem_shared>> -> memref<10240x64xf32, #tpu.memory_space<vmem_shared>>
          tpu.enqueue_indirect_dma source(%arg10 : memref<128x64xf32, #tpu.memory_space<vmem>>) target(%dma_start3A_123 : memref<10240x64xf32, #tpu.memory_space<vmem_shared>>) offsets(%dma_start3A_120 : memref<128xi32, #tpu.memory_space<vmem>>) semaphore(%run_scoped3A : memref<!tpu.dma_semaphore, #tpu.memory_space<semaphore_mem>>) {add = true}
          %dma_wait3A_124 = arith.constant 0 : i32
          %dma_wait3A_125 = tpu.memref_slice %arg8[%add3A_117, %dma_wait3A_124] : memref<79x128xi32, #tpu.memory_space<vmem>> -> memref<1x128xi32, #tpu.memory_space<vmem>>
          %dma_wait3A_126 = tpu.memref_squeeze %dma_wait3A_125 : memref<1x128xi32, #tpu.memory_space<vmem>> -> memref<128xi32, #tpu.memory_space<vmem>>
          %dma_wait3A_127 = arith.constant 0 : i32
          %dma_wait3A_128 = arith.constant 0 : i32
          %dma_wait3A_129 = tpu.memref_slice %arg12[%dma_wait3A_127, %dma_wait3A_128] : memref<10240x64xf32, #tpu.memory_space<vmem_shared>> -> memref<10240x64xf32, #tpu.memory_space<vmem_shared>>
          tpu.wait_indirect_dma semaphore(%run_scoped3A : memref<!tpu.dma_semaphore, #tpu.memory_space<semaphore_mem>>) src(%arg10 : memref<128x64xf32, #tpu.memory_space<vmem>>) dst(%dma_wait3A_129 : memref<10240x64xf32, #tpu.memory_space<vmem_shared>>)
          tpu.yield
        }) : () -> ()
      } else {
      }
      %add3A_101 = arith.constant 3 : i32
      %add3A_102 = arith.addi %mul3A_84, %add3A_101 : i32
      %lt3A_103 = arith.constant 79 : i32
      %lt3A_104 = arith.cmpi slt, %add3A_102, %lt3A_103 : i32
      %convert_element_type3A_105 = arith.extui %lt3A_104 : i1 to i32
      %cond3A_106 = arith.constant 0 : i32
      %cond3A_107 = arith.cmpi ne, %convert_element_type3A_105, %cond3A_106 : i32
      scf.if %cond3A_107 {
        %add3A_108 = arith.constant 3 : i32
        %add3A_109 = arith.addi %mul3A_84, %add3A_108 : i32
        %dma_start3A_110 = arith.constant 0 : i32
        %dma_start3A_111 = tpu.memref_slice %arg7[%add3A_109, %dma_start3A_110] : memref<79x128xi32, #tpu.memory_space<vmem>> -> memref<1x128xi32, #tpu.memory_space<vmem>>
        %dma_start3A_112 = tpu.memref_squeeze %dma_start3A_111 : memref<1x128xi32, #tpu.memory_space<vmem>> -> memref<128xi32, #tpu.memory_space<vmem>>
        %dma_start3A_113 = arith.constant 0 : i32
        %dma_start3A_114 = arith.constant 0 : i32
        %dma_start3A_115 = tpu.memref_slice %arg2[%dma_start3A_113, %dma_start3A_114] : memref<10000x64xf32, #tpu.memory_space<hbm>> -> memref<10000x64xf32, #tpu.memory_space<hbm>>
        tpu.enqueue_indirect_dma source(%dma_start3A_115 : memref<10000x64xf32, #tpu.memory_space<hbm>>) target(%arg10 : memref<128x64xf32, #tpu.memory_space<vmem>>) offsets(%dma_start3A_112 : memref<128xi32, #tpu.memory_space<vmem>>) semaphore(%arg14 : memref<!tpu.dma_semaphore, #tpu.memory_space<semaphore_mem>>)
      } else {
      }
    }
    %scan3A_30 = arith.constant 40 : i32
    %barrier3A_31 = arith.constant 0 : index
    tpu.barrier barrier_id(%barrier3A_31)
    %mul3A_32 = arith.constant 640 : i32
    %mul3A_33 = arith.muli %arg1, %mul3A_32 : i32
    %mul3A_34 = arith.constant 2 : i32
    %mul3A_35 = arith.muli %arg0, %mul3A_34 : i32
    %add3A_36 = arith.constant 0 : i32
    %add3A_37 = arith.addi %mul3A_35, %add3A_36 : i32
    %mul3A_38 = arith.constant 10240 : i32
    %mul3A_39 = arith.muli %add3A_37, %mul3A_38 : i32
    %mul3A_40 = arith.constant 640 : i32
    %mul3A_41 = arith.muli %arg1, %mul3A_40 : i32
    %add3A_42 = arith.addi %mul3A_39, %mul3A_41 : i32
    "tpu.region"() ({
      %run_scoped3A = tpu.sem_alloc : memref<!tpu.dma_semaphore, #tpu.memory_space<semaphore_mem>>
      %dma_start3A_82 = arith.constant 0 : i32
      %dma_start3A_83 = tpu.memref_slice %arg6[%add3A_42, %dma_start3A_82] : memref<40960x64xf32, #tpu.memory_space<hbm>> -> memref<640x64xf32, #tpu.memory_space<hbm>>
      %dma_start3A_84 = arith.constant 0 : i32
      %dma_start3A_85 = tpu.memref_slice %arg12[%mul3A_33, %dma_start3A_84] : memref<10240x64xf32, #tpu.memory_space<vmem_shared>> -> memref<640x64xf32, #tpu.memory_space<vmem_shared>>
      tpu.enqueue_dma source(%dma_start3A_85 : memref<640x64xf32, #tpu.memory_space<vmem_shared>>) target(%dma_start3A_83 : memref<640x64xf32, #tpu.memory_space<hbm>>) target_semaphore(%run_scoped3A : memref<!tpu.dma_semaphore, #tpu.memory_space<semaphore_mem>>)
      %dma_wait3A = arith.constant 0 : i32
      %dma_wait3A_86 = tpu.memref_slice %arg6[%add3A_42, %dma_wait3A] : memref<40960x64xf32, #tpu.memory_space<hbm>> -> memref<640x64xf32, #tpu.memory_space<hbm>>
      %dma_wait3A_87 = arith.constant 0 : i32
      %dma_wait3A_88 = tpu.memref_slice %arg12[%mul3A_33, %dma_wait3A_87] : memref<10240x64xf32, #tpu.memory_space<vmem_shared>> -> memref<640x64xf32, #tpu.memory_space<vmem_shared>>
      tpu.wait_dma2 semaphore(%run_scoped3A : memref<!tpu.dma_semaphore, #tpu.memory_space<semaphore_mem>>) src(%dma_wait3A_88 : memref<640x64xf32, #tpu.memory_space<vmem_shared>>) dst(%dma_wait3A_86 : memref<640x64xf32, #tpu.memory_space<hbm>>)
      tpu.yield
    }) : () -> ()
    %scan3A_43 = arith.constant 0 : i32
    %scan3A_44 = arith.constant 0 : i32
    %scan3A_45 = arith.constant 10 : i32
    %scan3A_46 = arith.addi %scan3A_44, %scan3A_45 : i32
    %scan3A_47 = arith.constant 1 : i32
    scf.for %scan3A_82 = %scan3A_44 to %scan3A_46 step %scan3A_47  : i32 {
      %mul3A_83 = arith.constant 640 : i32
      %mul3A_84 = arith.muli %arg1, %mul3A_83 : i32
      %mul3A_85 = arith.constant 64 : i32
      %mul3A_86 = arith.muli %scan3A_82, %mul3A_85 : i32
      %add3A_87 = arith.addi %mul3A_84, %mul3A_86 : i32
      "tpu.region"() ({
        %run_scoped3A = tpu.sem_alloc : memref<!tpu.dma_semaphore, #tpu.memory_space<semaphore_mem>>
        %dma_start3A_88 = arith.constant 0 : i32
        %dma_start3A_89 = tpu.memref_slice %arg12[%add3A_87, %dma_start3A_88] : memref<10240x64xf32, #tpu.memory_space<vmem_shared>> -> memref<64x64xf32, #tpu.memory_space<vmem_shared>>
        %dma_start3A_90 = arith.constant 0 : i32
        %dma_start3A_91 = tpu.memref_slice %arg12[%add3A_87, %dma_start3A_90] : memref<10240x64xf32, #tpu.memory_space<vmem_shared>> -> memref<64x64xf32, #tpu.memory_space<vmem_shared>>
        tpu.enqueue_dma source(%arg11 : memref<64x64xf32, #tpu.memory_space<vmem>>) target(%dma_start3A_91 : memref<64x64xf32, #tpu.memory_space<vmem_shared>>) target_semaphore(%run_scoped3A : memref<!tpu.dma_semaphore, #tpu.memory_space<semaphore_mem>>)
        %dma_wait3A = arith.constant 0 : i32
        %dma_wait3A_92 = tpu.memref_slice %arg12[%add3A_87, %dma_wait3A] : memref<10240x64xf32, #tpu.memory_space<vmem_shared>> -> memref<64x64xf32, #tpu.memory_space<vmem_shared>>
        %dma_wait3A_93 = arith.constant 0 : i32
        %dma_wait3A_94 = tpu.memref_slice %arg12[%add3A_87, %dma_wait3A_93] : memref<10240x64xf32, #tpu.memory_space<vmem_shared>> -> memref<64x64xf32, #tpu.memory_space<vmem_shared>>
        tpu.wait_dma2 semaphore(%run_scoped3A : memref<!tpu.dma_semaphore, #tpu.memory_space<semaphore_mem>>) src(%arg11 : memref<64x64xf32, #tpu.memory_space<vmem>>) dst(%dma_wait3A_94 : memref<64x64xf32, #tpu.memory_space<vmem_shared>>)
        tpu.yield
      }) : () -> ()
    }
    %scan3A_48 = arith.constant 10 : i32
    %barrier3A_49 = arith.constant 0 : index
    tpu.barrier barrier_id(%barrier3A_49)
    %dma_start3A_50 = arith.constant 0 : i32
    %dma_start3A_51 = arith.constant 0 : i32
    %dma_start3A_52 = tpu.memref_slice %arg7[%dma_start3A_50, %dma_start3A_51] : memref<79x128xi32, #tpu.memory_space<vmem>> -> memref<1x128xi32, #tpu.memory_space<vmem>>
    %dma_start3A_53 = tpu.memref_squeeze %dma_start3A_52 : memref<1x128xi32, #tpu.memory_space<vmem>> -> memref<128xi32, #tpu.memory_space<vmem>>
    %dma_start3A_54 = arith.constant 0 : i32
    %dma_start3A_55 = arith.constant 0 : i32
    %dma_start3A_56 = tpu.memref_slice %arg3[%dma_start3A_54, %dma_start3A_55] : memref<10000x64xf32, #tpu.memory_space<hbm>> -> memref<10000x64xf32, #tpu.memory_space<hbm>>
    tpu.enqueue_indirect_dma source(%dma_start3A_56 : memref<10000x64xf32, #tpu.memory_space<hbm>>) target(%arg9 : memref<128x64xf32, #tpu.memory_space<vmem>>) offsets(%dma_start3A_53 : memref<128xi32, #tpu.memory_space<vmem>>) semaphore(%arg13 : memref<!tpu.dma_semaphore, #tpu.memory_space<semaphore_mem>>)
    %dma_start3A_57 = arith.constant 1 : i32
    %dma_start3A_58 = arith.constant 0 : i32
    %dma_start3A_59 = tpu.memref_slice %arg7[%dma_start3A_57, %dma_start3A_58] : memref<79x128xi32, #tpu.memory_space<vmem>> -> memref<1x128xi32, #tpu.memory_space<vmem>>
    %dma_start3A_60 = tpu.memref_squeeze %dma_start3A_59 : memref<1x128xi32, #tpu.memory_space<vmem>> -> memref<128xi32, #tpu.memory_space<vmem>>
    %dma_start3A_61 = arith.constant 0 : i32
    %dma_start3A_62 = arith.constant 0 : i32
    %dma_start3A_63 = tpu.memref_slice %arg3[%dma_start3A_61, %dma_start3A_62] : memref<10000x64xf32, #tpu.memory_space<hbm>> -> memref<10000x64xf32, #tpu.memory_space<hbm>>
    tpu.enqueue_indirect_dma source(%dma_start3A_63 : memref<10000x64xf32, #tpu.memory_space<hbm>>) target(%arg10 : memref<128x64xf32, #tpu.memory_space<vmem>>) offsets(%dma_start3A_60 : memref<128xi32, #tpu.memory_space<vmem>>) semaphore(%arg14 : memref<!tpu.dma_semaphore, #tpu.memory_space<semaphore_mem>>)
    %scan3A_64 = arith.constant 0 : i32
    %scan3A_65 = arith.constant 0 : i32
    %scan3A_66 = arith.constant 40 : i32
    %scan3A_67 = arith.addi %scan3A_65, %scan3A_66 : i32
    %scan3A_68 = arith.constant 1 : i32
    scf.for %scan3A_82 = %scan3A_65 to %scan3A_67 step %scan3A_68  : i32 {
      %mul3A_83 = arith.constant 2 : i32
      %mul3A_84 = arith.muli %scan3A_82, %mul3A_83 : i32
      %dma_wait3A = arith.constant 0 : i32
      %dma_wait3A_85 = tpu.memref_slice %arg7[%mul3A_84, %dma_wait3A] : memref<79x128xi32, #tpu.memory_space<vmem>> -> memref<1x128xi32, #tpu.memory_space<vmem>>
      %dma_wait3A_86 = tpu.memref_squeeze %dma_wait3A_85 : memref<1x128xi32, #tpu.memory_space<vmem>> -> memref<128xi32, #tpu.memory_space<vmem>>
      %dma_wait3A_87 = arith.constant 0 : i32
      %dma_wait3A_88 = arith.constant 0 : i32
      %dma_wait3A_89 = tpu.memref_slice %arg3[%dma_wait3A_87, %dma_wait3A_88] : memref<10000x64xf32, #tpu.memory_space<hbm>> -> memref<10000x64xf32, #tpu.memory_space<hbm>>
      tpu.wait_indirect_dma semaphore(%arg13 : memref<!tpu.dma_semaphore, #tpu.memory_space<semaphore_mem>>) src(%dma_wait3A_89 : memref<10000x64xf32, #tpu.memory_space<hbm>>) dst(%arg9 : memref<128x64xf32, #tpu.memory_space<vmem>>)
      "tpu.region"() ({
        %run_scoped3A = tpu.sem_alloc : memref<!tpu.dma_semaphore, #tpu.memory_space<semaphore_mem>>
        %dma_start3A_108 = arith.constant 0 : i32
        %dma_start3A_109 = tpu.memref_slice %arg8[%mul3A_84, %dma_start3A_108] : memref<79x128xi32, #tpu.memory_space<vmem>> -> memref<1x128xi32, #tpu.memory_space<vmem>>
        %dma_start3A_110 = tpu.memref_squeeze %dma_start3A_109 : memref<1x128xi32, #tpu.memory_space<vmem>> -> memref<128xi32, #tpu.memory_space<vmem>>
        %dma_start3A_111 = arith.constant 0 : i32
        %dma_start3A_112 = arith.constant 0 : i32
        %dma_start3A_113 = tpu.memref_slice %arg12[%dma_start3A_111, %dma_start3A_112] : memref<10240x64xf32, #tpu.memory_space<vmem_shared>> -> memref<10240x64xf32, #tpu.memory_space<vmem_shared>>
        tpu.enqueue_indirect_dma source(%arg9 : memref<128x64xf32, #tpu.memory_space<vmem>>) target(%dma_start3A_113 : memref<10240x64xf32, #tpu.memory_space<vmem_shared>>) offsets(%dma_start3A_110 : memref<128xi32, #tpu.memory_space<vmem>>) semaphore(%run_scoped3A : memref<!tpu.dma_semaphore, #tpu.memory_space<semaphore_mem>>) {add = true}
        %dma_wait3A_114 = arith.constant 0 : i32
        %dma_wait3A_115 = tpu.memref_slice %arg8[%mul3A_84, %dma_wait3A_114] : memref<79x128xi32, #tpu.memory_space<vmem>> -> memref<1x128xi32, #tpu.memory_space<vmem>>
        %dma_wait3A_116 = tpu.memref_squeeze %dma_wait3A_115 : memref<1x128xi32, #tpu.memory_space<vmem>> -> memref<128xi32, #tpu.memory_space<vmem>>
        %dma_wait3A_117 = arith.constant 0 : i32
        %dma_wait3A_118 = arith.constant 0 : i32
        %dma_wait3A_119 = tpu.memref_slice %arg12[%dma_wait3A_117, %dma_wait3A_118] : memref<10240x64xf32, #tpu.memory_space<vmem_shared>> -> memref<10240x64xf32, #tpu.memory_space<vmem_shared>>
        tpu.wait_indirect_dma semaphore(%run_scoped3A : memref<!tpu.dma_semaphore, #tpu.memory_space<semaphore_mem>>) src(%arg9 : memref<128x64xf32, #tpu.memory_space<vmem>>) dst(%dma_wait3A_119 : memref<10240x64xf32, #tpu.memory_space<vmem_shared>>)
        tpu.yield
      }) : () -> ()
      %add3A_90 = arith.constant 2 : i32
      %add3A_91 = arith.addi %mul3A_84, %add3A_90 : i32
      %lt3A = arith.constant 79 : i32
      %lt3A_92 = arith.cmpi slt, %add3A_91, %lt3A : i32
      %convert_element_type3A = arith.extui %lt3A_92 : i1 to i32
      %cond3A = arith.constant 0 : i32
      %cond3A_93 = arith.cmpi ne, %convert_element_type3A, %cond3A : i32
      scf.if %cond3A_93 {
        %add3A_108 = arith.constant 2 : i32
        %add3A_109 = arith.addi %mul3A_84, %add3A_108 : i32
        %dma_start3A_110 = arith.constant 0 : i32
        %dma_start3A_111 = tpu.memref_slice %arg7[%add3A_109, %dma_start3A_110] : memref<79x128xi32, #tpu.memory_space<vmem>> -> memref<1x128xi32, #tpu.memory_space<vmem>>
        %dma_start3A_112 = tpu.memref_squeeze %dma_start3A_111 : memref<1x128xi32, #tpu.memory_space<vmem>> -> memref<128xi32, #tpu.memory_space<vmem>>
        %dma_start3A_113 = arith.constant 0 : i32
        %dma_start3A_114 = arith.constant 0 : i32
        %dma_start3A_115 = tpu.memref_slice %arg3[%dma_start3A_113, %dma_start3A_114] : memref<10000x64xf32, #tpu.memory_space<hbm>> -> memref<10000x64xf32, #tpu.memory_space<hbm>>
        tpu.enqueue_indirect_dma source(%dma_start3A_115 : memref<10000x64xf32, #tpu.memory_space<hbm>>) target(%arg9 : memref<128x64xf32, #tpu.memory_space<vmem>>) offsets(%dma_start3A_112 : memref<128xi32, #tpu.memory_space<vmem>>) semaphore(%arg13 : memref<!tpu.dma_semaphore, #tpu.memory_space<semaphore_mem>>)
      } else {
      }
      %add3A_94 = arith.constant 1 : i32
      %add3A_95 = arith.addi %mul3A_84, %add3A_94 : i32
      %lt3A_96 = arith.constant 79 : i32
      %lt3A_97 = arith.cmpi slt, %add3A_95, %lt3A_96 : i32
      %convert_element_type3A_98 = arith.extui %lt3A_97 : i1 to i32
      %cond3A_99 = arith.constant 0 : i32
      %cond3A_100 = arith.cmpi ne, %convert_element_type3A_98, %cond3A_99 : i32
      scf.if %cond3A_100 {
        %add3A_108 = arith.constant 1 : i32
        %add3A_109 = arith.addi %mul3A_84, %add3A_108 : i32
        %dma_wait3A_110 = arith.constant 0 : i32
        %dma_wait3A_111 = tpu.memref_slice %arg7[%add3A_109, %dma_wait3A_110] : memref<79x128xi32, #tpu.memory_space<vmem>> -> memref<1x128xi32, #tpu.memory_space<vmem>>
        %dma_wait3A_112 = tpu.memref_squeeze %dma_wait3A_111 : memref<1x128xi32, #tpu.memory_space<vmem>> -> memref<128xi32, #tpu.memory_space<vmem>>
        %dma_wait3A_113 = arith.constant 0 : i32
        %dma_wait3A_114 = arith.constant 0 : i32
        %dma_wait3A_115 = tpu.memref_slice %arg3[%dma_wait3A_113, %dma_wait3A_114] : memref<10000x64xf32, #tpu.memory_space<hbm>> -> memref<10000x64xf32, #tpu.memory_space<hbm>>
        tpu.wait_indirect_dma semaphore(%arg14 : memref<!tpu.dma_semaphore, #tpu.memory_space<semaphore_mem>>) src(%dma_wait3A_115 : memref<10000x64xf32, #tpu.memory_space<hbm>>) dst(%arg10 : memref<128x64xf32, #tpu.memory_space<vmem>>)
        %add3A_116 = arith.constant 1 : i32
        %add3A_117 = arith.addi %mul3A_84, %add3A_116 : i32
        "tpu.region"() ({
          %run_scoped3A = tpu.sem_alloc : memref<!tpu.dma_semaphore, #tpu.memory_space<semaphore_mem>>
          %dma_start3A_118 = arith.constant 0 : i32
          %dma_start3A_119 = tpu.memref_slice %arg8[%add3A_117, %dma_start3A_118] : memref<79x128xi32, #tpu.memory_space<vmem>> -> memref<1x128xi32, #tpu.memory_space<vmem>>
          %dma_start3A_120 = tpu.memref_squeeze %dma_start3A_119 : memref<1x128xi32, #tpu.memory_space<vmem>> -> memref<128xi32, #tpu.memory_space<vmem>>
          %dma_start3A_121 = arith.constant 0 : i32
          %dma_start3A_122 = arith.constant 0 : i32
          %dma_start3A_123 = tpu.memref_slice %arg12[%dma_start3A_121, %dma_start3A_122] : memref<10240x64xf32, #tpu.memory_space<vmem_shared>> -> memref<10240x64xf32, #tpu.memory_space<vmem_shared>>
          tpu.enqueue_indirect_dma source(%arg10 : memref<128x64xf32, #tpu.memory_space<vmem>>) target(%dma_start3A_123 : memref<10240x64xf32, #tpu.memory_space<vmem_shared>>) offsets(%dma_start3A_120 : memref<128xi32, #tpu.memory_space<vmem>>) semaphore(%run_scoped3A : memref<!tpu.dma_semaphore, #tpu.memory_space<semaphore_mem>>) {add = true}
          %dma_wait3A_124 = arith.constant 0 : i32
          %dma_wait3A_125 = tpu.memref_slice %arg8[%add3A_117, %dma_wait3A_124] : memref<79x128xi32, #tpu.memory_space<vmem>> -> memref<1x128xi32, #tpu.memory_space<vmem>>
          %dma_wait3A_126 = tpu.memref_squeeze %dma_wait3A_125 : memref<1x128xi32, #tpu.memory_space<vmem>> -> memref<128xi32, #tpu.memory_space<vmem>>
          %dma_wait3A_127 = arith.constant 0 : i32
          %dma_wait3A_128 = arith.constant 0 : i32
          %dma_wait3A_129 = tpu.memref_slice %arg12[%dma_wait3A_127, %dma_wait3A_128] : memref<10240x64xf32, #tpu.memory_space<vmem_shared>> -> memref<10240x64xf32, #tpu.memory_space<vmem_shared>>
          tpu.wait_indirect_dma semaphore(%run_scoped3A : memref<!tpu.dma_semaphore, #tpu.memory_space<semaphore_mem>>) src(%arg10 : memref<128x64xf32, #tpu.memory_space<vmem>>) dst(%dma_wait3A_129 : memref<10240x64xf32, #tpu.memory_space<vmem_shared>>)
          tpu.yield
        }) : () -> ()
      } else {
      }
      %add3A_101 = arith.constant 3 : i32
      %add3A_102 = arith.addi %mul3A_84, %add3A_101 : i32
      %lt3A_103 = arith.constant 79 : i32
      %lt3A_104 = arith.cmpi slt, %add3A_102, %lt3A_103 : i32
      %convert_element_type3A_105 = arith.extui %lt3A_104 : i1 to i32
      %cond3A_106 = arith.constant 0 : i32
      %cond3A_107 = arith.cmpi ne, %convert_element_type3A_105, %cond3A_106 : i32
      scf.if %cond3A_107 {
        %add3A_108 = arith.constant 3 : i32
        %add3A_109 = arith.addi %mul3A_84, %add3A_108 : i32
        %dma_start3A_110 = arith.constant 0 : i32
        %dma_start3A_111 = tpu.memref_slice %arg7[%add3A_109, %dma_start3A_110] : memref<79x128xi32, #tpu.memory_space<vmem>> -> memref<1x128xi32, #tpu.memory_space<vmem>>
        %dma_start3A_112 = tpu.memref_squeeze %dma_start3A_111 : memref<1x128xi32, #tpu.memory_space<vmem>> -> memref<128xi32, #tpu.memory_space<vmem>>
        %dma_start3A_113 = arith.constant 0 : i32
        %dma_start3A_114 = arith.constant 0 : i32
        %dma_start3A_115 = tpu.memref_slice %arg3[%dma_start3A_113, %dma_start3A_114] : memref<10000x64xf32, #tpu.memory_space<hbm>> -> memref<10000x64xf32, #tpu.memory_space<hbm>>
        tpu.enqueue_indirect_dma source(%dma_start3A_115 : memref<10000x64xf32, #tpu.memory_space<hbm>>) target(%arg10 : memref<128x64xf32, #tpu.memory_space<vmem>>) offsets(%dma_start3A_112 : memref<128xi32, #tpu.memory_space<vmem>>) semaphore(%arg14 : memref<!tpu.dma_semaphore, #tpu.memory_space<semaphore_mem>>)
      } else {
      }
    }
    %scan3A_69 = arith.constant 40 : i32
    %barrier3A_70 = arith.constant 0 : index
    tpu.barrier barrier_id(%barrier3A_70)
    %mul3A_71 = arith.constant 640 : i32
    %mul3A_72 = arith.muli %arg1, %mul3A_71 : i32
    %mul3A_73 = arith.constant 2 : i32
    %mul3A_74 = arith.muli %arg0, %mul3A_73 : i32
    %add3A_75 = arith.constant 1 : i32
    %add3A_76 = arith.addi %mul3A_74, %add3A_75 : i32
    %mul3A_77 = arith.constant 10240 : i32
    %mul3A_78 = arith.muli %add3A_76, %mul3A_77 : i32
    %mul3A_79 = arith.constant 640 : i32
    %mul3A_80 = arith.muli %arg1, %mul3A_79 : i32
    %add3A_81 = arith.addi %mul3A_78, %mul3A_80 : i32
    "tpu.region"() ({
      %run_scoped3A = tpu.sem_alloc : memref<!tpu.dma_semaphore, #tpu.memory_space<semaphore_mem>>
      %dma_start3A_82 = arith.constant 0 : i32
      %dma_start3A_83 = tpu.memref_slice %arg6[%add3A_81, %dma_start3A_82] : memref<40960x64xf32, #tpu.memory_space<hbm>> -> memref<640x64xf32, #tpu.memory_space<hbm>>
      %dma_start3A_84 = arith.constant 0 : i32
      %dma_start3A_85 = tpu.memref_slice %arg12[%mul3A_72, %dma_start3A_84] : memref<10240x64xf32, #tpu.memory_space<vmem_shared>> -> memref<640x64xf32, #tpu.memory_space<vmem_shared>>
      tpu.enqueue_dma source(%dma_start3A_85 : memref<640x64xf32, #tpu.memory_space<vmem_shared>>) target(%dma_start3A_83 : memref<640x64xf32, #tpu.memory_space<hbm>>) target_semaphore(%run_scoped3A : memref<!tpu.dma_semaphore, #tpu.memory_space<semaphore_mem>>)
      %dma_wait3A = arith.constant 0 : i32
      %dma_wait3A_86 = tpu.memref_slice %arg6[%add3A_81, %dma_wait3A] : memref<40960x64xf32, #tpu.memory_space<hbm>> -> memref<640x64xf32, #tpu.memory_space<hbm>>
      %dma_wait3A_87 = arith.constant 0 : i32
      %dma_wait3A_88 = tpu.memref_slice %arg12[%mul3A_72, %dma_wait3A_87] : memref<10240x64xf32, #tpu.memory_space<vmem_shared>> -> memref<640x64xf32, #tpu.memory_space<vmem_shared>>
      tpu.wait_dma2 semaphore(%run_scoped3A : memref<!tpu.dma_semaphore, #tpu.memory_space<semaphore_mem>>) src(%dma_wait3A_88 : memref<640x64xf32, #tpu.memory_space<vmem_shared>>) dst(%dma_wait3A_86 : memref<640x64xf32, #tpu.memory_space<hbm>>)
      tpu.yield
    }) : () -> ()
    return
  }
}

#map = affine_map<(d0, d1) -> (0, 0)>
#map1 = affine_map<(d0, d1) -> (0, 0, 0)>
module attributes {stable_mosaic.version = 14 : i64} {
  func.func @k(%arg0: i32, %arg1: i32, %arg2: memref<10000x64xf32, #tpu.memory_space<hbm>>, %arg3: memref<10000x64xf32, #tpu.memory_space<hbm>>, %arg4: memref<32x79x128xi32, #tpu.memory_space<hbm>>, %arg5: memref<32x79x128xi32, #tpu.memory_space<hbm>>, %arg6: memref<40960x64xf32, #tpu.memory_space<hbm>>, %arg7: memref<79x128xi32, #tpu.memory_space<vmem>>, %arg8: memref<79x128xi32, #tpu.memory_space<vmem>>, %arg9: memref<128x64xf32, #tpu.memory_space<vmem>>, %arg10: memref<128x64xf32, #tpu.memory_space<vmem>>, %arg11: memref<64x64xf32, #tpu.memory_space<vmem>>, %arg12: memref<10240x64xf32, #tpu.memory_space<vmem_shared>>, %arg13: memref<!tpu.dma_semaphore, #tpu.memory_space<semaphore_mem>>, %arg14: memref<!tpu.dma_semaphore, #tpu.memory_space<semaphore_mem>>) attributes {dimension_semantics = [#tpu.dimension_semantics<core_parallel>, #tpu.dimension_semantics<subcore_parallel>], iteration_bounds = array<i64: 2, 16>, scalar_prefetch = 0 : i64, scratch_operands = 8 : i64, tpu.core_type = #tpu.core_type<sc_vector_subcore>, window_params = [{transform_indices = #map}, {transform_indices = #map}, {transform_indices = #map1}, {transform_indices = #map1}, {transform_indices = #map}]} {
    %mul3A = arith.constant 16 : i32
    %mul3A_0 = arith.muli %arg0, %mul3A : i32
    %add3A = arith.addi %mul3A_0, %arg1 : i32
    %scan3A = arith.constant 0 : i32
    %scan3A_1 = arith.constant 0 : i32
    %scan3A_2 = arith.constant 64 : i32
    %scan3A_3 = arith.addi %scan3A_1, %scan3A_2 : i32
    %scan3A_4 = arith.constant 1 : i32
    scf.for %scan3A_82 = %scan3A_1 to %scan3A_3 step %scan3A_4  : i32 {
      %broadcast_in_dim3A = arith.constant 0.000000e+00 : f32
      %broadcast_in_dim3A_83 = vector.broadcast %broadcast_in_dim3A : f32 to vector<16xf32>
      %swap3A = arith.index_cast %scan3A_82 : i32 to index
      %swap3A_84 = arith.constant 0 : index
      %swap3A_85 = tpu.vector_load %arg11[%swap3A, %swap3A_84] {strides = array<i32>} : memref<64x64xf32, #tpu.memory_space<vmem>>, vector<1x16xf32>,
      %swap3A_86 = vector.shape_cast %swap3A_85 : vector<1x16xf32> to vector<16xf32>
      %swap3A_87 = vector.shape_cast %broadcast_in_dim3A_83 : vector<16xf32> to vector<1x16xf32>
      tpu.vector_store %arg11[%swap3A, %swap3A_84], %swap3A_87 {strides = array<i32>} : memref<64x64xf32, #tpu.memory_space<vmem>>, vector<1x16xf32>,
      %broadcast_in_dim3A_88 = arith.constant 0.000000e+00 : f32
      %broadcast_in_dim3A_89 = vector.broadcast %broadcast_in_dim3A_88 : f32 to vector<16xf32>
      %swap3A_90 = arith.index_cast %scan3A_82 : i32 to index
      %swap3A_91 = arith.constant 16 : index
      %swap3A_92 = tpu.vector_load %arg11[%swap3A_90, %swap3A_91] {strides = array<i32>} : memref<64x64xf32, #tpu.memory_space<vmem>>, vector<1x16xf32>,
      %swap3A_93 = vector.shape_cast %swap3A_92 : vector<1x16xf32> to vector<16xf32>
      %swap3A_94 = vector.shape_cast %broadcast_in_dim3A_89 : vector<16xf32> to vector<1x16xf32>
      tpu.vector_store %arg11[%swap3A_90, %swap3A_91], %swap3A_94 {strides = array<i32>} : memref<64x64xf32, #tpu.memory_space<vmem>>, vector<1x16xf32>,
      %broadcast_in_dim3A_95 = arith.constant 0.000000e+00 : f32
      %broadcast_in_dim3A_96 = vector.broadcast %broadcast_in_dim3A_95 : f32 to vector<16xf32>
      %swap3A_97 = arith.index_cast %scan3A_82 : i32 to index
      %swap3A_98 = arith.constant 32 : index
      %swap3A_99 = tpu.vector_load %arg11[%swap3A_97, %swap3A_98] {strides = array<i32>} : memref<64x64xf32, #tpu.memory_space<vmem>>, vector<1x16xf32>,
      %swap3A_100 = vector.shape_cast %swap3A_99 : vector<1x16xf32> to vector<16xf32>
      %swap3A_101 = vector.shape_cast %broadcast_in_dim3A_96 : vector<16xf32> to vector<1x16xf32>
      tpu.vector_store %arg11[%swap3A_97, %swap3A_98], %swap3A_101 {strides = array<i32>} : memref<64x64xf32, #tpu.memory_space<vmem>>, vector<1x16xf32>,
      %broadcast_in_dim3A_102 = arith.constant 0.000000e+00 : f32
      %broadcast_in_dim3A_103 = vector.broadcast %broadcast_in_dim3A_102 : f32 to vector<16xf32>
      %swap3A_104 = arith.index_cast %scan3A_82 : i32 to index
      %swap3A_105 = arith.constant 48 : index
      %swap3A_106 = tpu.vector_load %arg11[%swap3A_104, %swap3A_105] {strides = array<i32>} : memref<64x64xf32, #tpu.memory_space<vmem>>, vector<1x16xf32>,
      %swap3A_107 = vector.shape_cast %swap3A_106 : vector<1x16xf32> to vector<16xf32>
      %swap3A_108 = vector.shape_cast %broadcast_in_dim3A_103 : vector<16xf32> to vector<1x16xf32>
      tpu.vector_store %arg11[%swap3A_104, %swap3A_105], %swap3A_108 {strides = array<i32>} : memref<64x64xf32, #tpu.memory_space<vmem>>, vector<1x16xf32>,
    }
    %scan3A_5 = arith.constant 64 : i32
    "tpu.region"() ({
      %run_scoped3A = tpu.sem_alloc : memref<!tpu.dma_semaphore, #tpu.memory_space<semaphore_mem>>
      %dma_start3A_82 = arith.constant 0 : i32
      %dma_start3A_83 = arith.constant 0 : i32
      %dma_start3A_84 = tpu.memref_slice %arg4[%add3A, %dma_start3A_82, %dma_start3A_83] : memref<32x79x128xi32, #tpu.memory_space<hbm>> -> memref<1x79x128xi32, #tpu.memory_space<hbm>>
      %dma_start3A_85 = tpu.memref_squeeze %dma_start3A_84 : memref<1x79x128xi32, #tpu.memory_space<hbm>> -> memref<79x128xi32, #tpu.memory_space<hbm>>
      %dma_start3A_86 = arith.constant 0 : i32
      %dma_start3A_87 = arith.constant 0 : i32
      %dma_start3A_88 = tpu.memref_slice %arg4[%add3A, %dma_start3A_86, %dma_start3A_87] : memref<32x79x128xi32, #tpu.memory_space<hbm>> -> memref<1x79x128xi32, #tpu.memory_space<hbm>>
      %dma_start3A_89 = tpu.memref_squeeze %dma_start3A_88 : memref<1x79x128xi32, #tpu.memory_space<hbm>> -> memref<79x128xi32, #tpu.memory_space<hbm>>
      tpu.enqueue_dma source(%dma_start3A_89 : memref<79x128xi32, #tpu.memory_space<hbm>>) target(%arg7 : memref<79x128xi32, #tpu.memory_space<vmem>>) target_semaphore(%run_scoped3A : memref<!tpu.dma_semaphore, #tpu.memory_space<semaphore_mem>>)
      %dma_wait3A = arith.constant 0 : i32
      %dma_wait3A_90 = arith.constant 0 : i32
      %dma_wait3A_91 = tpu.memref_slice %arg4[%add3A, %dma_wait3A, %dma_wait3A_90] : memref<32x79x128xi32, #tpu.memory_space<hbm>> -> memref<1x79x128xi32, #tpu.memory_space<hbm>>
      %dma_wait3A_92 = tpu.memref_squeeze %dma_wait3A_91 : memref<1x79x128xi32, #tpu.memory_space<hbm>> -> memref<79x128xi32, #tpu.memory_space<hbm>>
      %dma_wait3A_93 = arith.constant 0 : i32
      %dma_wait3A_94 = arith.constant 0 : i32
      %dma_wait3A_95 = tpu.memref_slice %arg4[%add3A, %dma_wait3A_93, %dma_wait3A_94] : memref<32x79x128xi32, #tpu.memory_space<hbm>> -> memref<1x79x128xi32, #tpu.memory_space<hbm>>
      %dma_wait3A_96 = tpu.memref_squeeze %dma_wait3A_95 : memref<1x79x128xi32, #tpu.memory_space<hbm>> -> memref<79x128xi32, #tpu.memory_space<hbm>>
      tpu.wait_dma2 semaphore(%run_scoped3A : memref<!tpu.dma_semaphore, #tpu.memory_space<semaphore_mem>>) src(%dma_wait3A_96 : memref<79x128xi32, #tpu.memory_space<hbm>>) dst(%arg7 : memref<79x128xi32, #tpu.memory_space<vmem>>)
      tpu.yield
    }) : () -> ()
    "tpu.region"() ({
      %run_scoped3A = tpu.sem_alloc : memref<!tpu.dma_semaphore, #tpu.memory_space<semaphore_mem>>
      %dma_start3A_82 = arith.constant 0 : i32
      %dma_start3A_83 = arith.constant 0 : i32
      %dma_start3A_84 = tpu.memref_slice %arg5[%add3A, %dma_start3A_82, %dma_start3A_83] : memref<32x79x128xi32, #tpu.memory_space<hbm>> -> memref<1x79x128xi32, #tpu.memory_space<hbm>>
      %dma_start3A_85 = tpu.memref_squeeze %dma_start3A_84 : memref<1x79x128xi32, #tpu.memory_space<hbm>> -> memref<79x128xi32, #tpu.memory_space<hbm>>
      %dma_start3A_86 = arith.constant 0 : i32
      %dma_start3A_87 = arith.constant 0 : i32
      %dma_start3A_88 = tpu.memref_slice %arg5[%add3A, %dma_start3A_86, %dma_start3A_87] : memref<32x79x128xi32, #tpu.memory_space<hbm>> -> memref<1x79x128xi32, #tpu.memory_space<hbm>>
      %dma_start3A_89 = tpu.memref_squeeze %dma_start3A_88 : memref<1x79x128xi32, #tpu.memory_space<hbm>> -> memref<79x128xi32, #tpu.memory_space<hbm>>
      tpu.enqueue_dma source(%dma_start3A_89 : memref<79x128xi32, #tpu.memory_space<hbm>>) target(%arg8 : memref<79x128xi32, #tpu.memory_space<vmem>>) target_semaphore(%run_scoped3A : memref<!tpu.dma_semaphore, #tpu.memory_space<semaphore_mem>>)
      %dma_wait3A = arith.constant 0 : i32
      %dma_wait3A_90 = arith.constant 0 : i32
      %dma_wait3A_91 = tpu.memref_slice %arg5[%add3A, %dma_wait3A, %dma_wait3A_90] : memref<32x79x128xi32, #tpu.memory_space<hbm>> -> memref<1x79x128xi32, #tpu.memory_space<hbm>>
      %dma_wait3A_92 = tpu.memref_squeeze %dma_wait3A_91 : memref<1x79x128xi32, #tpu.memory_space<hbm>> -> memref<79x128xi32, #tpu.memory_space<hbm>>
      %dma_wait3A_93 = arith.constant 0 : i32
      %dma_wait3A_94 = arith.constant 0 : i32
      %dma_wait3A_95 = tpu.memref_slice %arg5[%add3A, %dma_wait3A_93, %dma_wait3A_94] : memref<32x79x128xi32, #tpu.memory_space<hbm>> -> memref<1x79x128xi32, #tpu.memory_space<hbm>>
      %dma_wait3A_96 = tpu.memref_squeeze %dma_wait3A_95 : memref<1x79x128xi32, #tpu.memory_space<hbm>> -> memref<79x128xi32, #tpu.memory_space<hbm>>
      tpu.wait_dma2 semaphore(%run_scoped3A : memref<!tpu.dma_semaphore, #tpu.memory_space<semaphore_mem>>) src(%dma_wait3A_96 : memref<79x128xi32, #tpu.memory_space<hbm>>) dst(%arg8 : memref<79x128xi32, #tpu.memory_space<vmem>>)
      tpu.yield
    }) : () -> ()
    %scan3A_6 = arith.constant 0 : i32
    %scan3A_7 = arith.constant 0 : i32
    %scan3A_8 = arith.constant 10 : i32
    %scan3A_9 = arith.addi %scan3A_7, %scan3A_8 : i32
    %scan3A_10 = arith.constant 1 : i32
    scf.for %scan3A_82 = %scan3A_7 to %scan3A_9 step %scan3A_10  : i32 {
      %mul3A_83 = arith.constant 640 : i32
      %mul3A_84 = arith.muli %arg1, %mul3A_83 : i32
      %mul3A_85 = arith.constant 64 : i32
      %mul3A_86 = arith.muli %scan3A_82, %mul3A_85 : i32
      %add3A_87 = arith.addi %mul3A_84, %mul3A_86 : i32
      "tpu.region"() ({
        %run_scoped3A = tpu.sem_alloc : memref<!tpu.dma_semaphore, #tpu.memory_space<semaphore_mem>>
        %dma_start3A_88 = arith.constant 0 : i32
        %dma_start3A_89 = tpu.memref_slice %arg12[%add3A_87, %dma_start3A_88] : memref<10240x64xf32, #tpu.memory_space<vmem_shared>> -> memref<64x64xf32, #tpu.memory_space<vmem_shared>>
        %dma_start3A_90 = arith.constant 0 : i32
        %dma_start3A_91 = tpu.memref_slice %arg12[%add3A_87, %dma_start3A_90] : memref<10240x64xf32, #tpu.memory_space<vmem_shared>> -> memref<64x64xf32, #tpu.memory_space<vmem_shared>>
        tpu.enqueue_dma source(%arg11 : memref<64x64xf32, #tpu.memory_space<vmem>>) target(%dma_start3A_91 : memref<64x64xf32, #tpu.memory_space<vmem_shared>>) target_semaphore(%run_scoped3A : memref<!tpu.dma_semaphore, #tpu.memory_space<semaphore_mem>>)
        %dma_wait3A = arith.constant 0 : i32
        %dma_wait3A_92 = tpu.memref_slice %arg12[%add3A_87, %dma_wait3A] : memref<10240x64xf32, #tpu.memory_space<vmem_shared>> -> memref<64x64xf32, #tpu.memory_space<vmem_shared>>
        %dma_wait3A_93 = arith.constant 0 : i32
        %dma_wait3A_94 = tpu.memref_slice %arg12[%add3A_87, %dma_wait3A_93] : memref<10240x64xf32, #tpu.memory_space<vmem_shared>> -> memref<64x64xf32, #tpu.memory_space<vmem_shared>>
        tpu.wait_dma2 semaphore(%run_scoped3A : memref<!tpu.dma_semaphore, #tpu.memory_space<semaphore_mem>>) src(%arg11 : memref<64x64xf32, #tpu.memory_space<vmem>>) dst(%dma_wait3A_94 : memref<64x64xf32, #tpu.memory_space<vmem_shared>>)
        tpu.yield
      }) : () -> ()
    }
    %scan3A_11 = arith.constant 10 : i32
    %barrier3A = arith.constant 0 : index
    tpu.barrier barrier_id(%barrier3A)
    %dma_start3A = arith.constant 0 : i32
    %dma_start3A_12 = arith.constant 0 : i32
    %dma_start3A_13 = tpu.memref_slice %arg7[%dma_start3A, %dma_start3A_12] : memref<79x128xi32, #tpu.memory_space<vmem>> -> memref<1x128xi32, #tpu.memory_space<vmem>>
    %dma_start3A_14 = tpu.memref_squeeze %dma_start3A_13 : memref<1x128xi32, #tpu.memory_space<vmem>> -> memref<128xi32, #tpu.memory_space<vmem>>
    %dma_start3A_15 = arith.constant 0 : i32
    %dma_start3A_16 = arith.constant 0 : i32
    %dma_start3A_17 = tpu.memref_slice %arg2[%dma_start3A_15, %dma_start3A_16] : memref<10000x64xf32, #tpu.memory_space<hbm>> -> memref<10000x64xf32, #tpu.memory_space<hbm>>
    tpu.enqueue_indirect_dma source(%dma_start3A_17 : memref<10000x64xf32, #tpu.memory_space<hbm>>) target(%arg9 : memref<128x64xf32, #tpu.memory_space<vmem>>) offsets(%dma_start3A_14 : memref<128xi32, #tpu.memory_space<vmem>>) semaphore(%arg13 : memref<!tpu.dma_semaphore, #tpu.memory_space<semaphore_mem>>)
    %dma_start3A_18 = arith.constant 1 : i32
    %dma_start3A_19 = arith.constant 0 : i32
    %dma_start3A_20 = tpu.memref_slice %arg7[%dma_start3A_18, %dma_start3A_19] : memref<79x128xi32, #tpu.memory_space<vmem>> -> memref<1x128xi32, #tpu.memory_space<vmem>>
    %dma_start3A_21 = tpu.memref_squeeze %dma_start3A_20 : memref<1x128xi32, #tpu.memory_space<vmem>> -> memref<128xi32, #tpu.memory_space<vmem>>
    %dma_start3A_22 = arith.constant 0 : i32
    %dma_start3A_23 = arith.constant 0 : i32
    %dma_start3A_24 = tpu.memref_slice %arg2[%dma_start3A_22, %dma_start3A_23] : memref<10000x64xf32, #tpu.memory_space<hbm>> -> memref<10000x64xf32, #tpu.memory_space<hbm>>
    tpu.enqueue_indirect_dma source(%dma_start3A_24 : memref<10000x64xf32, #tpu.memory_space<hbm>>) target(%arg10 : memref<128x64xf32, #tpu.memory_space<vmem>>) offsets(%dma_start3A_21 : memref<128xi32, #tpu.memory_space<vmem>>) semaphore(%arg14 : memref<!tpu.dma_semaphore, #tpu.memory_space<semaphore_mem>>)
    %scan3A_25 = arith.constant 0 : i32
    %scan3A_26 = arith.constant 0 : i32
    %scan3A_27 = arith.constant 40 : i32
    %scan3A_28 = arith.addi %scan3A_26, %scan3A_27 : i32
    %scan3A_29 = arith.constant 1 : i32
    scf.for %scan3A_82 = %scan3A_26 to %scan3A_28 step %scan3A_29  : i32 {
      %mul3A_83 = arith.constant 2 : i32
      %mul3A_84 = arith.muli %scan3A_82, %mul3A_83 : i32
      %dma_wait3A = arith.constant 0 : i32
      %dma_wait3A_85 = tpu.memref_slice %arg7[%mul3A_84, %dma_wait3A] : memref<79x128xi32, #tpu.memory_space<vmem>> -> memref<1x128xi32, #tpu.memory_space<vmem>>
      %dma_wait3A_86 = tpu.memref_squeeze %dma_wait3A_85 : memref<1x128xi32, #tpu.memory_space<vmem>> -> memref<128xi32, #tpu.memory_space<vmem>>
      %dma_wait3A_87 = arith.constant 0 : i32
      %dma_wait3A_88 = arith.constant 0 : i32
      %dma_wait3A_89 = tpu.memref_slice %arg2[%dma_wait3A_87, %dma_wait3A_88] : memref<10000x64xf32, #tpu.memory_space<hbm>> -> memref<10000x64xf32, #tpu.memory_space<hbm>>
      tpu.wait_indirect_dma semaphore(%arg13 : memref<!tpu.dma_semaphore, #tpu.memory_space<semaphore_mem>>) src(%dma_wait3A_89 : memref<10000x64xf32, #tpu.memory_space<hbm>>) dst(%arg9 : memref<128x64xf32, #tpu.memory_space<vmem>>)
      "tpu.region"() ({
        %run_scoped3A = tpu.sem_alloc : memref<!tpu.dma_semaphore, #tpu.memory_space<semaphore_mem>>
        %dma_start3A_108 = arith.constant 0 : i32
        %dma_start3A_109 = tpu.memref_slice %arg8[%mul3A_84, %dma_start3A_108] : memref<79x128xi32, #tpu.memory_space<vmem>> -> memref<1x128xi32, #tpu.memory_space<vmem>>
        %dma_start3A_110 = tpu.memref_squeeze %dma_start3A_109 : memref<1x128xi32, #tpu.memory_space<vmem>> -> memref<128xi32, #tpu.memory_space<vmem>>
        %dma_start3A_111 = arith.constant 0 : i32
        %dma_start3A_112 = arith.constant 0 : i32
        %dma_start3A_113 = tpu.memref_slice %arg12[%dma_start3A_111, %dma_start3A_112] : memref<10240x64xf32, #tpu.memory_space<vmem_shared>> -> memref<10240x64xf32, #tpu.memory_space<vmem_shared>>
        tpu.enqueue_indirect_dma source(%arg9 : memref<128x64xf32, #tpu.memory_space<vmem>>) target(%dma_start3A_113 : memref<10240x64xf32, #tpu.memory_space<vmem_shared>>) offsets(%dma_start3A_110 : memref<128xi32, #tpu.memory_space<vmem>>) semaphore(%run_scoped3A : memref<!tpu.dma_semaphore, #tpu.memory_space<semaphore_mem>>) {add = true}
        %dma_wait3A_114 = arith.constant 0 : i32
        %dma_wait3A_115 = tpu.memref_slice %arg8[%mul3A_84, %dma_wait3A_114] : memref<79x128xi32, #tpu.memory_space<vmem>> -> memref<1x128xi32, #tpu.memory_space<vmem>>
        %dma_wait3A_116 = tpu.memref_squeeze %dma_wait3A_115 : memref<1x128xi32, #tpu.memory_space<vmem>> -> memref<128xi32, #tpu.memory_space<vmem>>
        %dma_wait3A_117 = arith.constant 0 : i32
        %dma_wait3A_118 = arith.constant 0 : i32
        %dma_wait3A_119 = tpu.memref_slice %arg12[%dma_wait3A_117, %dma_wait3A_118] : memref<10240x64xf32, #tpu.memory_space<vmem_shared>> -> memref<10240x64xf32, #tpu.memory_space<vmem_shared>>
        tpu.wait_indirect_dma semaphore(%run_scoped3A : memref<!tpu.dma_semaphore, #tpu.memory_space<semaphore_mem>>) src(%arg9 : memref<128x64xf32, #tpu.memory_space<vmem>>) dst(%dma_wait3A_119 : memref<10240x64xf32, #tpu.memory_space<vmem_shared>>)
        tpu.yield
      }) : () -> ()
      %add3A_90 = arith.constant 2 : i32
      %add3A_91 = arith.addi %mul3A_84, %add3A_90 : i32
      %lt3A = arith.constant 79 : i32
      %lt3A_92 = arith.cmpi slt, %add3A_91, %lt3A : i32
      %convert_element_type3A = arith.extui %lt3A_92 : i1 to i32
      %cond3A = arith.constant 0 : i32
      %cond3A_93 = arith.cmpi ne, %convert_element_type3A, %cond3A : i32
      scf.if %cond3A_93 {
        %add3A_108 = arith.constant 2 : i32
        %add3A_109 = arith.addi %mul3A_84, %add3A_108 : i32
        %dma_start3A_110 = arith.constant 0 : i32
        %dma_start3A_111 = tpu.memref_slice %arg7[%add3A_109, %dma_start3A_110] : memref<79x128xi32, #tpu.memory_space<vmem>> -> memref<1x128xi32, #tpu.memory_space<vmem>>
        %dma_start3A_112 = tpu.memref_squeeze %dma_start3A_111 : memref<1x128xi32, #tpu.memory_space<vmem>> -> memref<128xi32, #tpu.memory_space<vmem>>
        %dma_start3A_113 = arith.constant 0 : i32
        %dma_start3A_114 = arith.constant 0 : i32
        %dma_start3A_115 = tpu.memref_slice %arg2[%dma_start3A_113, %dma_start3A_114] : memref<10000x64xf32, #tpu.memory_space<hbm>> -> memref<10000x64xf32, #tpu.memory_space<hbm>>
        tpu.enqueue_indirect_dma source(%dma_start3A_115 : memref<10000x64xf32, #tpu.memory_space<hbm>>) target(%arg9 : memref<128x64xf32, #tpu.memory_space<vmem>>) offsets(%dma_start3A_112 : memref<128xi32, #tpu.memory_space<vmem>>) semaphore(%arg13 : memref<!tpu.dma_semaphore, #tpu.memory_space<semaphore_mem>>)
      } else {
      }
      %add3A_94 = arith.constant 1 : i32
      %add3A_95 = arith.addi %mul3A_84, %add3A_94 : i32
      %lt3A_96 = arith.constant 79 : i32
      %lt3A_97 = arith.cmpi slt, %add3A_95, %lt3A_96 : i32
      %convert_element_type3A_98 = arith.extui %lt3A_97 : i1 to i32
      %cond3A_99 = arith.constant 0 : i32
      %cond3A_100 = arith.cmpi ne, %convert_element_type3A_98, %cond3A_99 : i32
      scf.if %cond3A_100 {
        %add3A_108 = arith.constant 1 : i32
        %add3A_109 = arith.addi %mul3A_84, %add3A_108 : i32
        %dma_wait3A_110 = arith.constant 0 : i32
        %dma_wait3A_111 = tpu.memref_slice %arg7[%add3A_109, %dma_wait3A_110] : memref<79x128xi32, #tpu.memory_space<vmem>> -> memref<1x128xi32, #tpu.memory_space<vmem>>
        %dma_wait3A_112 = tpu.memref_squeeze %dma_wait3A_111 : memref<1x128xi32, #tpu.memory_space<vmem>> -> memref<128xi32, #tpu.memory_space<vmem>>
        %dma_wait3A_113 = arith.constant 0 : i32
        %dma_wait3A_114 = arith.constant 0 : i32
        %dma_wait3A_115 = tpu.memref_slice %arg2[%dma_wait3A_113, %dma_wait3A_114] : memref<10000x64xf32, #tpu.memory_space<hbm>> -> memref<10000x64xf32, #tpu.memory_space<hbm>>
        tpu.wait_indirect_dma semaphore(%arg14 : memref<!tpu.dma_semaphore, #tpu.memory_space<semaphore_mem>>) src(%dma_wait3A_115 : memref<10000x64xf32, #tpu.memory_space<hbm>>) dst(%arg10 : memref<128x64xf32, #tpu.memory_space<vmem>>)
        %add3A_116 = arith.constant 1 : i32
        %add3A_117 = arith.addi %mul3A_84, %add3A_116 : i32
        "tpu.region"() ({
          %run_scoped3A = tpu.sem_alloc : memref<!tpu.dma_semaphore, #tpu.memory_space<semaphore_mem>>
          %dma_start3A_118 = arith.constant 0 : i32
          %dma_start3A_119 = tpu.memref_slice %arg8[%add3A_117, %dma_start3A_118] : memref<79x128xi32, #tpu.memory_space<vmem>> -> memref<1x128xi32, #tpu.memory_space<vmem>>
          %dma_start3A_120 = tpu.memref_squeeze %dma_start3A_119 : memref<1x128xi32, #tpu.memory_space<vmem>> -> memref<128xi32, #tpu.memory_space<vmem>>
          %dma_start3A_121 = arith.constant 0 : i32
          %dma_start3A_122 = arith.constant 0 : i32
          %dma_start3A_123 = tpu.memref_slice %arg12[%dma_start3A_121, %dma_start3A_122] : memref<10240x64xf32, #tpu.memory_space<vmem_shared>> -> memref<10240x64xf32, #tpu.memory_space<vmem_shared>>
          tpu.enqueue_indirect_dma source(%arg10 : memref<128x64xf32, #tpu.memory_space<vmem>>) target(%dma_start3A_123 : memref<10240x64xf32, #tpu.memory_space<vmem_shared>>) offsets(%dma_start3A_120 : memref<128xi32, #tpu.memory_space<vmem>>) semaphore(%run_scoped3A : memref<!tpu.dma_semaphore, #tpu.memory_space<semaphore_mem>>) {add = true}
          %dma_wait3A_124 = arith.constant 0 : i32
          %dma_wait3A_125 = tpu.memref_slice %arg8[%add3A_117, %dma_wait3A_124] : memref<79x128xi32, #tpu.memory_space<vmem>> -> memref<1x128xi32, #tpu.memory_space<vmem>>
          %dma_wait3A_126 = tpu.memref_squeeze %dma_wait3A_125 : memref<1x128xi32, #tpu.memory_space<vmem>> -> memref<128xi32, #tpu.memory_space<vmem>>
          %dma_wait3A_127 = arith.constant 0 : i32
          %dma_wait3A_128 = arith.constant 0 : i32
          %dma_wait3A_129 = tpu.memref_slice %arg12[%dma_wait3A_127, %dma_wait3A_128] : memref<10240x64xf32, #tpu.memory_space<vmem_shared>> -> memref<10240x64xf32, #tpu.memory_space<vmem_shared>>
          tpu.wait_indirect_dma semaphore(%run_scoped3A : memref<!tpu.dma_semaphore, #tpu.memory_space<semaphore_mem>>) src(%arg10 : memref<128x64xf32, #tpu.memory_space<vmem>>) dst(%dma_wait3A_129 : memref<10240x64xf32, #tpu.memory_space<vmem_shared>>)
          tpu.yield
        }) : () -> ()
      } else {
      }
      %add3A_101 = arith.constant 3 : i32
      %add3A_102 = arith.addi %mul3A_84, %add3A_101 : i32
      %lt3A_103 = arith.constant 79 : i32
      %lt3A_104 = arith.cmpi slt, %add3A_102, %lt3A_103 : i32
      %convert_element_type3A_105 = arith.extui %lt3A_104 : i1 to i32
      %cond3A_106 = arith.constant 0 : i32
      %cond3A_107 = arith.cmpi ne, %convert_element_type3A_105, %cond3A_106 : i32
      scf.if %cond3A_107 {
        %add3A_108 = arith.constant 3 : i32
        %add3A_109 = arith.addi %mul3A_84, %add3A_108 : i32
        %dma_start3A_110 = arith.constant 0 : i32
        %dma_start3A_111 = tpu.memref_slice %arg7[%add3A_109, %dma_start3A_110] : memref<79x128xi32, #tpu.memory_space<vmem>> -> memref<1x128xi32, #tpu.memory_space<vmem>>
        %dma_start3A_112 = tpu.memref_squeeze %dma_start3A_111 : memref<1x128xi32, #tpu.memory_space<vmem>> -> memref<128xi32, #tpu.memory_space<vmem>>
        %dma_start3A_113 = arith.constant 0 : i32
        %dma_start3A_114 = arith.constant 0 : i32
        %dma_start3A_115 = tpu.memref_slice %arg2[%dma_start3A_113, %dma_start3A_114] : memref<10000x64xf32, #tpu.memory_space<hbm>> -> memref<10000x64xf32, #tpu.memory_space<hbm>>
        tpu.enqueue_indirect_dma source(%dma_start3A_115 : memref<10000x64xf32, #tpu.memory_space<hbm>>) target(%arg10 : memref<128x64xf32, #tpu.memory_space<vmem>>) offsets(%dma_start3A_112 : memref<128xi32, #tpu.memory_space<vmem>>) semaphore(%arg14 : memref<!tpu.dma_semaphore, #tpu.memory_space<semaphore_mem>>)
      } else {
      }
    }
    %scan3A_30 = arith.constant 40 : i32
    %barrier3A_31 = arith.constant 0 : index
    tpu.barrier barrier_id(%barrier3A_31)
    %mul3A_32 = arith.constant 640 : i32
    %mul3A_33 = arith.muli %arg1, %mul3A_32 : i32
    %mul3A_34 = arith.constant 2 : i32
    %mul3A_35 = arith.muli %arg0, %mul3A_34 : i32
    %add3A_36 = arith.constant 0 : i32
    %add3A_37 = arith.addi %mul3A_35, %add3A_36 : i32
    %mul3A_38 = arith.constant 10240 : i32
    %mul3A_39 = arith.muli %add3A_37, %mul3A_38 : i32
    %mul3A_40 = arith.constant 640 : i32
    %mul3A_41 = arith.muli %arg1, %mul3A_40 : i32
    %add3A_42 = arith.addi %mul3A_39, %mul3A_41 : i32
    "tpu.region"() ({
      %run_scoped3A = tpu.sem_alloc : memref<!tpu.dma_semaphore, #tpu.memory_space<semaphore_mem>>
      %dma_start3A_82 = arith.constant 0 : i32
      %dma_start3A_83 = tpu.memref_slice %arg6[%add3A_42, %dma_start3A_82] : memref<40960x64xf32, #tpu.memory_space<hbm>> -> memref<640x64xf32, #tpu.memory_space<hbm>>
      %dma_start3A_84 = arith.constant 0 : i32
      %dma_start3A_85 = tpu.memref_slice %arg12[%mul3A_33, %dma_start3A_84] : memref<10240x64xf32, #tpu.memory_space<vmem_shared>> -> memref<640x64xf32, #tpu.memory_space<vmem_shared>>
      tpu.enqueue_dma source(%dma_start3A_85 : memref<640x64xf32, #tpu.memory_space<vmem_shared>>) target(%dma_start3A_83 : memref<640x64xf32, #tpu.memory_space<hbm>>) target_semaphore(%run_scoped3A : memref<!tpu.dma_semaphore, #tpu.memory_space<semaphore_mem>>)
      %dma_wait3A = arith.constant 0 : i32
      %dma_wait3A_86 = tpu.memref_slice %arg6[%add3A_42, %dma_wait3A] : memref<40960x64xf32, #tpu.memory_space<hbm>> -> memref<640x64xf32, #tpu.memory_space<hbm>>
      %dma_wait3A_87 = arith.constant 0 : i32
      %dma_wait3A_88 = tpu.memref_slice %arg12[%mul3A_33, %dma_wait3A_87] : memref<10240x64xf32, #tpu.memory_space<vmem_shared>> -> memref<640x64xf32, #tpu.memory_space<vmem_shared>>
      tpu.wait_dma2 semaphore(%run_scoped3A : memref<!tpu.dma_semaphore, #tpu.memory_space<semaphore_mem>>) src(%dma_wait3A_88 : memref<640x64xf32, #tpu.memory_space<vmem_shared>>) dst(%dma_wait3A_86 : memref<640x64xf32, #tpu.memory_space<hbm>>)
      tpu.yield
    }) : () -> ()
    %scan3A_43 = arith.constant 0 : i32
    %scan3A_44 = arith.constant 0 : i32
    %scan3A_45 = arith.constant 10 : i32
    %scan3A_46 = arith.addi %scan3A_44, %scan3A_45 : i32
    %scan3A_47 = arith.constant 1 : i32
    scf.for %scan3A_82 = %scan3A_44 to %scan3A_46 step %scan3A_47  : i32 {
      %mul3A_83 = arith.constant 640 : i32
      %mul3A_84 = arith.muli %arg1, %mul3A_83 : i32
      %mul3A_85 = arith.constant 64 : i32
      %mul3A_86 = arith.muli %scan3A_82, %mul3A_85 : i32
      %add3A_87 = arith.addi %mul3A_84, %mul3A_86 : i32
      "tpu.region"() ({
        %run_scoped3A = tpu.sem_alloc : memref<!tpu.dma_semaphore, #tpu.memory_space<semaphore_mem>>
        %dma_start3A_88 = arith.constant 0 : i32
        %dma_start3A_89 = tpu.memref_slice %arg12[%add3A_87, %dma_start3A_88] : memref<10240x64xf32, #tpu.memory_space<vmem_shared>> -> memref<64x64xf32, #tpu.memory_space<vmem_shared>>
        %dma_start3A_90 = arith.constant 0 : i32
        %dma_start3A_91 = tpu.memref_slice %arg12[%add3A_87, %dma_start3A_90] : memref<10240x64xf32, #tpu.memory_space<vmem_shared>> -> memref<64x64xf32, #tpu.memory_space<vmem_shared>>
        tpu.enqueue_dma source(%arg11 : memref<64x64xf32, #tpu.memory_space<vmem>>) target(%dma_start3A_91 : memref<64x64xf32, #tpu.memory_space<vmem_shared>>) target_semaphore(%run_scoped3A : memref<!tpu.dma_semaphore, #tpu.memory_space<semaphore_mem>>)
        %dma_wait3A = arith.constant 0 : i32
        %dma_wait3A_92 = tpu.memref_slice %arg12[%add3A_87, %dma_wait3A] : memref<10240x64xf32, #tpu.memory_space<vmem_shared>> -> memref<64x64xf32, #tpu.memory_space<vmem_shared>>
        %dma_wait3A_93 = arith.constant 0 : i32
        %dma_wait3A_94 = tpu.memref_slice %arg12[%add3A_87, %dma_wait3A_93] : memref<10240x64xf32, #tpu.memory_space<vmem_shared>> -> memref<64x64xf32, #tpu.memory_space<vmem_shared>>
        tpu.wait_dma2 semaphore(%run_scoped3A : memref<!tpu.dma_semaphore, #tpu.memory_space<semaphore_mem>>) src(%arg11 : memref<64x64xf32, #tpu.memory_space<vmem>>) dst(%dma_wait3A_94 : memref<64x64xf32, #tpu.memory_space<vmem_shared>>)
        tpu.yield
      }) : () -> ()
    }
    %scan3A_48 = arith.constant 10 : i32
    %barrier3A_49 = arith.constant 0 : index
    tpu.barrier barrier_id(%barrier3A_49)
    %dma_start3A_50 = arith.constant 0 : i32
    %dma_start3A_51 = arith.constant 0 : i32
    %dma_start3A_52 = tpu.memref_slice %arg7[%dma_start3A_50, %dma_start3A_51] : memref<79x128xi32, #tpu.memory_space<vmem>> -> memref<1x128xi32, #tpu.memory_space<vmem>>
    %dma_start3A_53 = tpu.memref_squeeze %dma_start3A_52 : memref<1x128xi32, #tpu.memory_space<vmem>> -> memref<128xi32, #tpu.memory_space<vmem>>
    %dma_start3A_54 = arith.constant 0 : i32
    %dma_start3A_55 = arith.constant 0 : i32
    %dma_start3A_56 = tpu.memref_slice %arg3[%dma_start3A_54, %dma_start3A_55] : memref<10000x64xf32, #tpu.memory_space<hbm>> -> memref<10000x64xf32, #tpu.memory_space<hbm>>
    tpu.enqueue_indirect_dma source(%dma_start3A_56 : memref<10000x64xf32, #tpu.memory_space<hbm>>) target(%arg9 : memref<128x64xf32, #tpu.memory_space<vmem>>) offsets(%dma_start3A_53 : memref<128xi32, #tpu.memory_space<vmem>>) semaphore(%arg13 : memref<!tpu.dma_semaphore, #tpu.memory_space<semaphore_mem>>)
    %dma_start3A_57 = arith.constant 1 : i32
    %dma_start3A_58 = arith.constant 0 : i32
    %dma_start3A_59 = tpu.memref_slice %arg7[%dma_start3A_57, %dma_start3A_58] : memref<79x128xi32, #tpu.memory_space<vmem>> -> memref<1x128xi32, #tpu.memory_space<vmem>>
    %dma_start3A_60 = tpu.memref_squeeze %dma_start3A_59 : memref<1x128xi32, #tpu.memory_space<vmem>> -> memref<128xi32, #tpu.memory_space<vmem>>
    %dma_start3A_61 = arith.constant 0 : i32
    %dma_start3A_62 = arith.constant 0 : i32
    %dma_start3A_63 = tpu.memref_slice %arg3[%dma_start3A_61, %dma_start3A_62] : memref<10000x64xf32, #tpu.memory_space<hbm>> -> memref<10000x64xf32, #tpu.memory_space<hbm>>
    tpu.enqueue_indirect_dma source(%dma_start3A_63 : memref<10000x64xf32, #tpu.memory_space<hbm>>) target(%arg10 : memref<128x64xf32, #tpu.memory_space<vmem>>) offsets(%dma_start3A_60 : memref<128xi32, #tpu.memory_space<vmem>>) semaphore(%arg14 : memref<!tpu.dma_semaphore, #tpu.memory_space<semaphore_mem>>)
    %scan3A_64 = arith.constant 0 : i32
    %scan3A_65 = arith.constant 0 : i32
    %scan3A_66 = arith.constant 40 : i32
    %scan3A_67 = arith.addi %scan3A_65, %scan3A_66 : i32
    %scan3A_68 = arith.constant 1 : i32
    scf.for %scan3A_82 = %scan3A_65 to %scan3A_67 step %scan3A_68  : i32 {
      %mul3A_83 = arith.constant 2 : i32
      %mul3A_84 = arith.muli %scan3A_82, %mul3A_83 : i32
      %dma_wait3A = arith.constant 0 : i32
      %dma_wait3A_85 = tpu.memref_slice %arg7[%mul3A_84, %dma_wait3A] : memref<79x128xi32, #tpu.memory_space<vmem>> -> memref<1x128xi32, #tpu.memory_space<vmem>>
      %dma_wait3A_86 = tpu.memref_squeeze %dma_wait3A_85 : memref<1x128xi32, #tpu.memory_space<vmem>> -> memref<128xi32, #tpu.memory_space<vmem>>
      %dma_wait3A_87 = arith.constant 0 : i32
      %dma_wait3A_88 = arith.constant 0 : i32
      %dma_wait3A_89 = tpu.memref_slice %arg3[%dma_wait3A_87, %dma_wait3A_88] : memref<10000x64xf32, #tpu.memory_space<hbm>> -> memref<10000x64xf32, #tpu.memory_space<hbm>>
      tpu.wait_indirect_dma semaphore(%arg13 : memref<!tpu.dma_semaphore, #tpu.memory_space<semaphore_mem>>) src(%dma_wait3A_89 : memref<10000x64xf32, #tpu.memory_space<hbm>>) dst(%arg9 : memref<128x64xf32, #tpu.memory_space<vmem>>)
      "tpu.region"() ({
        %run_scoped3A = tpu.sem_alloc : memref<!tpu.dma_semaphore, #tpu.memory_space<semaphore_mem>>
        %dma_start3A_108 = arith.constant 0 : i32
        %dma_start3A_109 = tpu.memref_slice %arg8[%mul3A_84, %dma_start3A_108] : memref<79x128xi32, #tpu.memory_space<vmem>> -> memref<1x128xi32, #tpu.memory_space<vmem>>
        %dma_start3A_110 = tpu.memref_squeeze %dma_start3A_109 : memref<1x128xi32, #tpu.memory_space<vmem>> -> memref<128xi32, #tpu.memory_space<vmem>>
        %dma_start3A_111 = arith.constant 0 : i32
        %dma_start3A_112 = arith.constant 0 : i32
        %dma_start3A_113 = tpu.memref_slice %arg12[%dma_start3A_111, %dma_start3A_112] : memref<10240x64xf32, #tpu.memory_space<vmem_shared>> -> memref<10240x64xf32, #tpu.memory_space<vmem_shared>>
        tpu.enqueue_indirect_dma source(%arg9 : memref<128x64xf32, #tpu.memory_space<vmem>>) target(%dma_start3A_113 : memref<10240x64xf32, #tpu.memory_space<vmem_shared>>) offsets(%dma_start3A_110 : memref<128xi32, #tpu.memory_space<vmem>>) semaphore(%run_scoped3A : memref<!tpu.dma_semaphore, #tpu.memory_space<semaphore_mem>>) {add = true}
        %dma_wait3A_114 = arith.constant 0 : i32
        %dma_wait3A_115 = tpu.memref_slice %arg8[%mul3A_84, %dma_wait3A_114] : memref<79x128xi32, #tpu.memory_space<vmem>> -> memref<1x128xi32, #tpu.memory_space<vmem>>
        %dma_wait3A_116 = tpu.memref_squeeze %dma_wait3A_115 : memref<1x128xi32, #tpu.memory_space<vmem>> -> memref<128xi32, #tpu.memory_space<vmem>>
        %dma_wait3A_117 = arith.constant 0 : i32
        %dma_wait3A_118 = arith.constant 0 : i32
        %dma_wait3A_119 = tpu.memref_slice %arg12[%dma_wait3A_117, %dma_wait3A_118] : memref<10240x64xf32, #tpu.memory_space<vmem_shared>> -> memref<10240x64xf32, #tpu.memory_space<vmem_shared>>
        tpu.wait_indirect_dma semaphore(%run_scoped3A : memref<!tpu.dma_semaphore, #tpu.memory_space<semaphore_mem>>) src(%arg9 : memref<128x64xf32, #tpu.memory_space<vmem>>) dst(%dma_wait3A_119 : memref<10240x64xf32, #tpu.memory_space<vmem_shared>>)
        tpu.yield
      }) : () -> ()
      %add3A_90 = arith.constant 2 : i32
      %add3A_91 = arith.addi %mul3A_84, %add3A_90 : i32
      %lt3A = arith.constant 79 : i32
      %lt3A_92 = arith.cmpi slt, %add3A_91, %lt3A : i32
      %convert_element_type3A = arith.extui %lt3A_92 : i1 to i32
      %cond3A = arith.constant 0 : i32
      %cond3A_93 = arith.cmpi ne, %convert_element_type3A, %cond3A : i32
      scf.if %cond3A_93 {
        %add3A_108 = arith.constant 2 : i32
        %add3A_109 = arith.addi %mul3A_84, %add3A_108 : i32
        %dma_start3A_110 = arith.constant 0 : i32
        %dma_start3A_111 = tpu.memref_slice %arg7[%add3A_109, %dma_start3A_110] : memref<79x128xi32, #tpu.memory_space<vmem>> -> memref<1x128xi32, #tpu.memory_space<vmem>>
        %dma_start3A_112 = tpu.memref_squeeze %dma_start3A_111 : memref<1x128xi32, #tpu.memory_space<vmem>> -> memref<128xi32, #tpu.memory_space<vmem>>
        %dma_start3A_113 = arith.constant 0 : i32
        %dma_start3A_114 = arith.constant 0 : i32
        %dma_start3A_115 = tpu.memref_slice %arg3[%dma_start3A_113, %dma_start3A_114] : memref<10000x64xf32, #tpu.memory_space<hbm>> -> memref<10000x64xf32, #tpu.memory_space<hbm>>
        tpu.enqueue_indirect_dma source(%dma_start3A_115 : memref<10000x64xf32, #tpu.memory_space<hbm>>) target(%arg9 : memref<128x64xf32, #tpu.memory_space<vmem>>) offsets(%dma_start3A_112 : memref<128xi32, #tpu.memory_space<vmem>>) semaphore(%arg13 : memref<!tpu.dma_semaphore, #tpu.memory_space<semaphore_mem>>)
      } else {
      }
      %add3A_94 = arith.constant 1 : i32
      %add3A_95 = arith.addi %mul3A_84, %add3A_94 : i32
      %lt3A_96 = arith.constant 79 : i32
      %lt3A_97 = arith.cmpi slt, %add3A_95, %lt3A_96 : i32
      %convert_element_type3A_98 = arith.extui %lt3A_97 : i1 to i32
      %cond3A_99 = arith.constant 0 : i32
      %cond3A_100 = arith.cmpi ne, %convert_element_type3A_98, %cond3A_99 : i32
      scf.if %cond3A_100 {
        %add3A_108 = arith.constant 1 : i32
        %add3A_109 = arith.addi %mul3A_84, %add3A_108 : i32
        %dma_wait3A_110 = arith.constant 0 : i32
        %dma_wait3A_111 = tpu.memref_slice %arg7[%add3A_109, %dma_wait3A_110] : memref<79x128xi32, #tpu.memory_space<vmem>> -> memref<1x128xi32, #tpu.memory_space<vmem>>
        %dma_wait3A_112 = tpu.memref_squeeze %dma_wait3A_111 : memref<1x128xi32, #tpu.memory_space<vmem>> -> memref<128xi32, #tpu.memory_space<vmem>>
        %dma_wait3A_113 = arith.constant 0 : i32
        %dma_wait3A_114 = arith.constant 0 : i32
        %dma_wait3A_115 = tpu.memref_slice %arg3[%dma_wait3A_113, %dma_wait3A_114] : memref<10000x64xf32, #tpu.memory_space<hbm>> -> memref<10000x64xf32, #tpu.memory_space<hbm>>
        tpu.wait_indirect_dma semaphore(%arg14 : memref<!tpu.dma_semaphore, #tpu.memory_space<semaphore_mem>>) src(%dma_wait3A_115 : memref<10000x64xf32, #tpu.memory_space<hbm>>) dst(%arg10 : memref<128x64xf32, #tpu.memory_space<vmem>>)
        %add3A_116 = arith.constant 1 : i32
        %add3A_117 = arith.addi %mul3A_84, %add3A_116 : i32
        "tpu.region"() ({
          %run_scoped3A = tpu.sem_alloc : memref<!tpu.dma_semaphore, #tpu.memory_space<semaphore_mem>>
          %dma_start3A_118 = arith.constant 0 : i32
          %dma_start3A_119 = tpu.memref_slice %arg8[%add3A_117, %dma_start3A_118] : memref<79x128xi32, #tpu.memory_space<vmem>> -> memref<1x128xi32, #tpu.memory_space<vmem>>
          %dma_start3A_120 = tpu.memref_squeeze %dma_start3A_119 : memref<1x128xi32, #tpu.memory_space<vmem>> -> memref<128xi32, #tpu.memory_space<vmem>>
          %dma_start3A_121 = arith.constant 0 : i32
          %dma_start3A_122 = arith.constant 0 : i32
          %dma_start3A_123 = tpu.memref_slice %arg12[%dma_start3A_121, %dma_start3A_122] : memref<10240x64xf32, #tpu.memory_space<vmem_shared>> -> memref<10240x64xf32, #tpu.memory_space<vmem_shared>>
          tpu.enqueue_indirect_dma source(%arg10 : memref<128x64xf32, #tpu.memory_space<vmem>>) target(%dma_start3A_123 : memref<10240x64xf32, #tpu.memory_space<vmem_shared>>) offsets(%dma_start3A_120 : memref<128xi32, #tpu.memory_space<vmem>>) semaphore(%run_scoped3A : memref<!tpu.dma_semaphore, #tpu.memory_space<semaphore_mem>>) {add = true}
          %dma_wait3A_124 = arith.constant 0 : i32
          %dma_wait3A_125 = tpu.memref_slice %arg8[%add3A_117, %dma_wait3A_124] : memref<79x128xi32, #tpu.memory_space<vmem>> -> memref<1x128xi32, #tpu.memory_space<vmem>>
          %dma_wait3A_126 = tpu.memref_squeeze %dma_wait3A_125 : memref<1x128xi32, #tpu.memory_space<vmem>> -> memref<128xi32, #tpu.memory_space<vmem>>
          %dma_wait3A_127 = arith.constant 0 : i32
          %dma_wait3A_128 = arith.constant 0 : i32
          %dma_wait3A_129 = tpu.memref_slice %arg12[%dma_wait3A_127, %dma_wait3A_128] : memref<10240x64xf32, #tpu.memory_space<vmem_shared>> -> memref<10240x64xf32, #tpu.memory_space<vmem_shared>>
          tpu.wait_indirect_dma semaphore(%run_scoped3A : memref<!tpu.dma_semaphore, #tpu.memory_space<semaphore_mem>>) src(%arg10 : memref<128x64xf32, #tpu.memory_space<vmem>>) dst(%dma_wait3A_129 : memref<10240x64xf32, #tpu.memory_space<vmem_shared>>)
          tpu.yield
        }) : () -> ()
      } else {
      }
      %add3A_101 = arith.constant 3 : i32
      %add3A_102 = arith.addi %mul3A_84, %add3A_101 : i32
      %lt3A_103 = arith.constant 79 : i32
      %lt3A_104 = arith.cmpi slt, %add3A_102, %lt3A_103 : i32
      %convert_element_type3A_105 = arith.extui %lt3A_104 : i1 to i32
      %cond3A_106 = arith.constant 0 : i32
      %cond3A_107 = arith.cmpi ne, %convert_element_type3A_105, %cond3A_106 : i32
      scf.if %cond3A_107 {
        %add3A_108 = arith.constant 3 : i32
        %add3A_109 = arith.addi %mul3A_84, %add3A_108 : i32
        %dma_start3A_110 = arith.constant 0 : i32
        %dma_start3A_111 = tpu.memref_slice %arg7[%add3A_109, %dma_start3A_110] : memref<79x128xi32, #tpu.memory_space<vmem>> -> memref<1x128xi32, #tpu.memory_space<vmem>>
        %dma_start3A_112 = tpu.memref_squeeze %dma_start3A_111 : memref<1x128xi32, #tpu.memory_space<vmem>> -> memref<128xi32, #tpu.memory_space<vmem>>
        %dma_start3A_113 = arith.constant 0 : i32
        %dma_start3A_114 = arith.constant 0 : i32
        %dma_start3A_115 = tpu.memref_slice %arg3[%dma_start3A_113, %dma_start3A_114] : memref<10000x64xf32, #tpu.memory_space<hbm>> -> memref<10000x64xf32, #tpu.memory_space<hbm>>
        tpu.enqueue_indirect_dma source(%dma_start3A_115 : memref<10000x64xf32, #tpu.memory_space<hbm>>) target(%arg10 : memref<128x64xf32, #tpu.memory_space<vmem>>) offsets(%dma_start3A_112 : memref<128xi32, #tpu.memory_space<vmem>>) semaphore(%arg14 : memref<!tpu.dma_semaphore, #tpu.memory_space<semaphore_mem>>)
      } else {
      }
    }
    %scan3A_69 = arith.constant 40 : i32
    %barrier3A_70 = arith.constant 0 : index
    tpu.barrier barrier_id(%barrier3A_70)
    %mul3A_71 = arith.constant 640 : i32
    %mul3A_72 = arith.muli %arg1, %mul3A_71 : i32
    %mul3A_73 = arith.constant 2 : i32
    %mul3A_74 = arith.muli %arg0, %mul3A_73 : i32
    %add3A_75 = arith.constant 1 : i32
    %add3A_76 = arith.addi %mul3A_74, %add3A_75 : i32
    %mul3A_77 = arith.constant 10240 : i32
    %mul3A_78 = arith.muli %add3A_76, %mul3A_77 : i32
    %mul3A_79 = arith.constant 640 : i32
    %mul3A_80 = arith.muli %arg1, %mul3A_79 : i32
    %add3A_81 = arith.addi %mul3A_78, %mul3A_80 : i32
    "tpu.region"() ({
      %run_scoped3A = tpu.sem_alloc : memref<!tpu.dma_semaphore, #tpu.memory_space<semaphore_mem>>
      %dma_start3A_82 = arith.constant 0 : i32
      %dma_start3A_83 = tpu.memref_slice %arg6[%add3A_81, %dma_start3A_82] : memref<40960x64xf32, #tpu.memory_space<hbm>> -> memref<640x64xf32, #tpu.memory_space<hbm>>
      %dma_start3A_84 = arith.constant 0 : i32
      %dma_start3A_85 = tpu.memref_slice %arg12[%mul3A_72, %dma_start3A_84] : memref<10240x64xf32, #tpu.memory_space<vmem_shared>> -> memref<640x64xf32, #tpu.memory_space<vmem_shared>>
      tpu.enqueue_dma source(%dma_start3A_85 : memref<640x64xf32, #tpu.memory_space<vmem_shared>>) target(%dma_start3A_83 : memref<640x64xf32, #tpu.memory_space<hbm>>) target_semaphore(%run_scoped3A : memref<!tpu.dma_semaphore, #tpu.memory_space<semaphore_mem>>)
      %dma_wait3A = arith.constant 0 : i32
      %dma_wait3A_86 = tpu.memref_slice %arg6[%add3A_81, %dma_wait3A] : memref<40960x64xf32, #tpu.memory_space<hbm>> -> memref<640x64xf32, #tpu.memory_space<hbm>>
      %dma_wait3A_87 = arith.constant 0 : i32
      %dma_wait3A_88 = tpu.memref_slice %arg12[%mul3A_72, %dma_wait3A_87] : memref<10240x64xf32, #tpu.memory_space<vmem_shared>> -> memref<640x64xf32, #tpu.memory_space<vmem_shared>>
      tpu.wait_dma2 semaphore(%run_scoped3A : memref<!tpu.dma_semaphore, #tpu.memory_space<semaphore_mem>>) src(%dma_wait3A_88 : memref<640x64xf32, #tpu.memory_space<vmem_shared>>) dst(%dma_wait3A_86 : memref<640x64xf32, #tpu.memory_space<hbm>>)
      tpu.yield
    }) : () -> ()
    return
  }
}

module attributes {stable_mosaic.version = 14 : i64} {
  func.func @_mlp_kernel(%arg0: memref<10000x128xf32, #tpu.memory_space<vmem>>, %arg1: memref<10000x64xf32, #tpu.memory_space<vmem>>, %arg2: memref<10000x64xf32, #tpu.memory_space<vmem>>, %arg3: memref<10000x64xf32, #tpu.memory_space<vmem>>, %arg4: memref<10000x64xf32, #tpu.memory_space<vmem>>, %arg5: memref<128x128xf32, #tpu.memory_space<vmem>>, %arg6: memref<1x128xf32, #tpu.memory_space<vmem>>, %arg7: memref<1x128xf32, #tpu.memory_space<vmem>>, %arg8: memref<1x128xf32, #tpu.memory_space<vmem>>, %arg9: memref<128x128xf32, #tpu.memory_space<vmem>>, %arg10: memref<1x128xf32, #tpu.memory_space<vmem>>, %arg11: memref<1x128xf32, #tpu.memory_space<vmem>>, %arg12: memref<1x128xf32, #tpu.memory_space<vmem>>, %arg13: memref<10000x128xf32, #tpu.memory_space<vmem>>) attributes {dimension_semantics = [], scalar_prefetch = 0 : i64, scratch_operands = 0 : i64, tpu.core_type = #tpu.core_type<tc>} {
    %get3A = arith.constant 0 : index
    %get3A_0 = arith.constant 0 : index
    %get3A_1 = vector.load %arg0[%get3A, %get3A_0] : memref<10000x128xf32, #tpu.memory_space<vmem>>, vector<10000x128xf32>
    %get3A_2 = arith.constant 0 : index
    %get3A_3 = arith.constant 0 : index
    %get3A_4 = vector.load %arg1[%get3A_2, %get3A_3] : memref<10000x64xf32, #tpu.memory_space<vmem>>, vector<10000x64xf32>
    %get3A_5 = arith.constant 0 : index
    %get3A_6 = arith.constant 0 : index
    %get3A_7 = vector.load %arg3[%get3A_5, %get3A_6] : memref<10000x64xf32, #tpu.memory_space<vmem>>, vector<10000x64xf32>
    %add3A = arith.addf %get3A_4, %get3A_7 : vector<10000x64xf32>
    %get3A_8 = arith.constant 0 : index
    %get3A_9 = arith.constant 0 : index
    %get3A_10 = vector.load %arg2[%get3A_8, %get3A_9] : memref<10000x64xf32, #tpu.memory_space<vmem>>, vector<10000x64xf32>
    %get3A_11 = arith.constant 0 : index
    %get3A_12 = arith.constant 0 : index
    %get3A_13 = vector.load %arg4[%get3A_11, %get3A_12] : memref<10000x64xf32, #tpu.memory_space<vmem>>, vector<10000x64xf32>
    %add3A_14 = arith.addf %get3A_10, %get3A_13 : vector<10000x64xf32>
    %concatenate3A = tpu.concatenate %add3A, %add3A_14 in 1 : vector<10000x64xf32>, vector<10000x64xf32> -> vector<10000x128xf32>
    %add3A_15 = arith.addf %get3A_1, %concatenate3A : vector<10000x128xf32>
    %get3A_16 = arith.constant 0 : index
    %get3A_17 = arith.constant 0 : index
    %get3A_18 = vector.load %arg5[%get3A_16, %get3A_17] : memref<128x128xf32, #tpu.memory_space<vmem>>, vector<128x128xf32>
    %dot_general3A = arith.constant dense<0.000000e+00> : vector<10000x128xf32>
    %dot_general3A_19 = tpu.matmul %add3A_15, %get3A_18, %dot_general3A {dimension_numbers = #tpu.dot_dimension_numbers<[1], [0], [0], [1], [0, 0, 1, 1], [], []>, transpose_lhs_hint = false} : vector<10000x128xf32>, vector<128x128xf32>, vector<10000x128xf32> -> vector<10000x128xf32>
    %get3A_20 = arith.constant 0 : index
    %get3A_21 = arith.constant 0 : index
    %get3A_22 = vector.load %arg6[%get3A_20, %get3A_21] : memref<1x128xf32, #tpu.memory_space<vmem>>, vector<1x128xf32>
    %add3A_23 = vector.broadcast %get3A_22 : vector<1x128xf32> to vector<10000x128xf32>
    %add3A_24 = arith.addf %dot_general3A_19, %add3A_23 : vector<10000x128xf32>
    %get3A_25 = arith.constant 0 : index
    %get3A_26 = arith.constant 0 : index
    %get3A_27 = vector.load %arg7[%get3A_25, %get3A_26] : memref<1x128xf32, #tpu.memory_space<vmem>>, vector<1x128xf32>
    %get3A_28 = arith.constant 0 : index
    %get3A_29 = arith.constant 0 : index
    %get3A_30 = vector.load %arg8[%get3A_28, %get3A_29] : memref<1x128xf32, #tpu.memory_space<vmem>>, vector<1x128xf32>
    %reduce_sum3A = arith.constant dense<0.000000e+00> : vector<128xf32>
    %reduce_sum3A_31 = vector.multi_reduction <add>, %add3A_24, %reduce_sum3A [0] : vector<10000x128xf32> to vector<128xf32>
    %broadcast_in_dim3A = vector.shape_cast %reduce_sum3A_31 : vector<128xf32> to vector<1x128xf32>
    %div3A = arith.constant 1.000000e+04 : f32
    %div3A_32 = vector.broadcast %div3A : f32 to vector<1x128xf32>
    %div3A_33 = arith.divf %broadcast_in_dim3A, %div3A_32 : vector<1x128xf32>
    %sub3A = vector.broadcast %div3A_33 : vector<1x128xf32> to vector<10000x128xf32>
    %sub3A_34 = arith.subf %add3A_24, %sub3A : vector<10000x128xf32>
    %mul3A = arith.mulf %sub3A_34, %sub3A_34 : vector<10000x128xf32>
    %reduce_sum3A_35 = arith.constant dense<0.000000e+00> : vector<128xf32>
    %reduce_sum3A_36 = vector.multi_reduction <add>, %mul3A, %reduce_sum3A_35 [0] : vector<10000x128xf32> to vector<128xf32>
    %broadcast_in_dim3A_37 = vector.shape_cast %reduce_sum3A_36 : vector<128xf32> to vector<1x128xf32>
    %div3A_38 = arith.constant 1.000000e+04 : f32
    %div3A_39 = vector.broadcast %div3A_38 : f32 to vector<1x128xf32>
    %div3A_40 = arith.divf %broadcast_in_dim3A_37, %div3A_39 : vector<1x128xf32>
    %mul3A_41 = vector.broadcast %get3A_27 : vector<1x128xf32> to vector<10000x128xf32>
    %mul3A_42 = arith.mulf %mul3A_41, %sub3A_34 : vector<10000x128xf32>
    %add3A_43 = arith.constant 9.99999974E-6 : f32
    %add3A_44 = vector.broadcast %add3A_43 : f32 to vector<1x128xf32>
    %add3A_45 = arith.addf %div3A_40, %add3A_44 : vector<1x128xf32>
    %sqrt3A = math.sqrt %add3A_45 : vector<1x128xf32>
    %div3A_46 = vector.broadcast %sqrt3A : vector<1x128xf32> to vector<10000x128xf32>
    %div3A_47 = arith.divf %mul3A_42, %div3A_46 : vector<10000x128xf32>
    %add3A_48 = vector.broadcast %get3A_30 : vector<1x128xf32> to vector<10000x128xf32>
    %add3A_49 = arith.addf %div3A_47, %add3A_48 : vector<10000x128xf32>
    %max3A = arith.constant 0.000000e+00 : f32
    %max3A_50 = vector.broadcast %max3A : f32 to vector<10000x128xf32>
    %max3A_51 = arith.maximumf %add3A_49, %max3A_50 : vector<10000x128xf32>
    %get3A_52 = arith.constant 0 : index
    %get3A_53 = arith.constant 0 : index
    %get3A_54 = vector.load %arg9[%get3A_52, %get3A_53] : memref<128x128xf32, #tpu.memory_space<vmem>>, vector<128x128xf32>
    %dot_general3A_55 = arith.constant dense<0.000000e+00> : vector<10000x128xf32>
    %dot_general3A_56 = tpu.matmul %max3A_51, %get3A_54, %dot_general3A_55 {dimension_numbers = #tpu.dot_dimension_numbers<[1], [0], [0], [1], [0, 0, 1, 1], [], []>, transpose_lhs_hint = false} : vector<10000x128xf32>, vector<128x128xf32>, vector<10000x128xf32> -> vector<10000x128xf32>
    %get3A_57 = arith.constant 0 : index
    %get3A_58 = arith.constant 0 : index
    %get3A_59 = vector.load %arg10[%get3A_57, %get3A_58] : memref<1x128xf32, #tpu.memory_space<vmem>>, vector<1x128xf32>
    %add3A_60 = vector.broadcast %get3A_59 : vector<1x128xf32> to vector<10000x128xf32>
    %add3A_61 = arith.addf %dot_general3A_56, %add3A_60 : vector<10000x128xf32>
    %get3A_62 = arith.constant 0 : index
    %get3A_63 = arith.constant 0 : index
    %get3A_64 = vector.load %arg11[%get3A_62, %get3A_63] : memref<1x128xf32, #tpu.memory_space<vmem>>, vector<1x128xf32>
    %get3A_65 = arith.constant 0 : index
    %get3A_66 = arith.constant 0 : index
    %get3A_67 = vector.load %arg12[%get3A_65, %get3A_66] : memref<1x128xf32, #tpu.memory_space<vmem>>, vector<1x128xf32>
    %reduce_sum3A_68 = arith.constant dense<0.000000e+00> : vector<128xf32>
    %reduce_sum3A_69 = vector.multi_reduction <add>, %add3A_61, %reduce_sum3A_68 [0] : vector<10000x128xf32> to vector<128xf32>
    %broadcast_in_dim3A_70 = vector.shape_cast %reduce_sum3A_69 : vector<128xf32> to vector<1x128xf32>
    %div3A_71 = arith.constant 1.000000e+04 : f32
    %div3A_72 = vector.broadcast %div3A_71 : f32 to vector<1x128xf32>
    %div3A_73 = arith.divf %broadcast_in_dim3A_70, %div3A_72 : vector<1x128xf32>
    %sub3A_74 = vector.broadcast %div3A_73 : vector<1x128xf32> to vector<10000x128xf32>
    %sub3A_75 = arith.subf %add3A_61, %sub3A_74 : vector<10000x128xf32>
    %mul3A_76 = arith.mulf %sub3A_75, %sub3A_75 : vector<10000x128xf32>
    %reduce_sum3A_77 = arith.constant dense<0.000000e+00> : vector<128xf32>
    %reduce_sum3A_78 = vector.multi_reduction <add>, %mul3A_76, %reduce_sum3A_77 [0] : vector<10000x128xf32> to vector<128xf32>
    %broadcast_in_dim3A_79 = vector.shape_cast %reduce_sum3A_78 : vector<128xf32> to vector<1x128xf32>
    %div3A_80 = arith.constant 1.000000e+04 : f32
    %div3A_81 = vector.broadcast %div3A_80 : f32 to vector<1x128xf32>
    %div3A_82 = arith.divf %broadcast_in_dim3A_79, %div3A_81 : vector<1x128xf32>
    %mul3A_83 = vector.broadcast %get3A_64 : vector<1x128xf32> to vector<10000x128xf32>
    %mul3A_84 = arith.mulf %mul3A_83, %sub3A_75 : vector<10000x128xf32>
    %add3A_85 = arith.constant 9.99999974E-6 : f32
    %add3A_86 = vector.broadcast %add3A_85 : f32 to vector<1x128xf32>
    %add3A_87 = arith.addf %div3A_82, %add3A_86 : vector<1x128xf32>
    %sqrt3A_88 = math.sqrt %add3A_87 : vector<1x128xf32>
    %div3A_89 = vector.broadcast %sqrt3A_88 : vector<1x128xf32> to vector<10000x128xf32>
    %div3A_90 = arith.divf %mul3A_84, %div3A_89 : vector<10000x128xf32>
    %add3A_91 = vector.broadcast %get3A_67 : vector<1x128xf32> to vector<10000x128xf32>
    %add3A_92 = arith.addf %div3A_90, %add3A_91 : vector<10000x128xf32>
    %max3A_93 = arith.constant 0.000000e+00 : f32
    %max3A_94 = vector.broadcast %max3A_93 : f32 to vector<10000x128xf32>
    %max3A_95 = arith.maximumf %add3A_92, %max3A_94 : vector<10000x128xf32>
    %swap3A = arith.constant 0 : index
    %swap3A_96 = arith.constant 0 : index
    %swap3A_97 = vector.load %arg13[%swap3A, %swap3A_96] : memref<10000x128xf32, #tpu.memory_space<vmem>>, vector<10000x128xf32>
    tpu.vector_store %arg13[%swap3A, %swap3A_96], %max3A_95 {strides = array<i32>} : memref<10000x128xf32, #tpu.memory_space<vmem>>, vector<10000x128xf32>,
    return
  }
}

module attributes {stable_mosaic.version = 14 : i64} {
  func.func @_mlp_pool_kernel(%arg0: memref<10000x128xf32, #tpu.memory_space<vmem>>, %arg1: memref<10000x64xf32, #tpu.memory_space<vmem>>, %arg2: memref<10000x64xf32, #tpu.memory_space<vmem>>, %arg3: memref<10000x64xf32, #tpu.memory_space<vmem>>, %arg4: memref<10000x64xf32, #tpu.memory_space<vmem>>, %arg5: memref<128x128xf32, #tpu.memory_space<vmem>>, %arg6: memref<1x128xf32, #tpu.memory_space<vmem>>, %arg7: memref<1x128xf32, #tpu.memory_space<vmem>>, %arg8: memref<1x128xf32, #tpu.memory_space<vmem>>, %arg9: memref<128x128xf32, #tpu.memory_space<vmem>>, %arg10: memref<1x128xf32, #tpu.memory_space<vmem>>, %arg11: memref<1x128xf32, #tpu.memory_space<vmem>>, %arg12: memref<1x128xf32, #tpu.memory_space<vmem>>, %arg13: memref<1x10000xi32, #tpu.memory_space<vmem>>, %arg14: memref<128x64xf32, #tpu.memory_space<vmem>>, %arg15: memref<1x64xf32, #tpu.memory_space<vmem>>, %arg16: memref<1x64xf32, #tpu.memory_space<vmem>>, %arg17: memref<1x64xf32, #tpu.memory_space<vmem>>, %arg18: memref<64x128xf32, #tpu.memory_space<vmem>>, %arg19: memref<1x128xf32, #tpu.memory_space<vmem>>, %arg20: memref<10000x128xf32, #tpu.memory_space<vmem>>, %arg21: memref<64x128xf32, #tpu.memory_space<vmem>>, %arg22: memref<64x128xf32, #tpu.memory_space<vmem>>) attributes {dimension_semantics = [], scalar_prefetch = 0 : i64, scratch_operands = 0 : i64, tpu.core_type = #tpu.core_type<tc>} {
    %get3A = arith.constant 0 : index
    %get3A_0 = arith.constant 0 : index
    %get3A_1 = vector.load %arg0[%get3A, %get3A_0] : memref<10000x128xf32, #tpu.memory_space<vmem>>, vector<10000x128xf32>
    %get3A_2 = arith.constant 0 : index
    %get3A_3 = arith.constant 0 : index
    %get3A_4 = vector.load %arg1[%get3A_2, %get3A_3] : memref<10000x64xf32, #tpu.memory_space<vmem>>, vector<10000x64xf32>
    %get3A_5 = arith.constant 0 : index
    %get3A_6 = arith.constant 0 : index
    %get3A_7 = vector.load %arg3[%get3A_5, %get3A_6] : memref<10000x64xf32, #tpu.memory_space<vmem>>, vector<10000x64xf32>
    %add3A = arith.addf %get3A_4, %get3A_7 : vector<10000x64xf32>
    %get3A_8 = arith.constant 0 : index
    %get3A_9 = arith.constant 0 : index
    %get3A_10 = vector.load %arg2[%get3A_8, %get3A_9] : memref<10000x64xf32, #tpu.memory_space<vmem>>, vector<10000x64xf32>
    %get3A_11 = arith.constant 0 : index
    %get3A_12 = arith.constant 0 : index
    %get3A_13 = vector.load %arg4[%get3A_11, %get3A_12] : memref<10000x64xf32, #tpu.memory_space<vmem>>, vector<10000x64xf32>
    %add3A_14 = arith.addf %get3A_10, %get3A_13 : vector<10000x64xf32>
    %concatenate3A = tpu.concatenate %add3A, %add3A_14 in 1 : vector<10000x64xf32>, vector<10000x64xf32> -> vector<10000x128xf32>
    %add3A_15 = arith.addf %get3A_1, %concatenate3A : vector<10000x128xf32>
    %get3A_16 = arith.constant 0 : index
    %get3A_17 = arith.constant 0 : index
    %get3A_18 = vector.load %arg5[%get3A_16, %get3A_17] : memref<128x128xf32, #tpu.memory_space<vmem>>, vector<128x128xf32>
    %dot_general3A = arith.constant dense<0.000000e+00> : vector<10000x128xf32>
    %dot_general3A_19 = tpu.matmul %add3A_15, %get3A_18, %dot_general3A {dimension_numbers = #tpu.dot_dimension_numbers<[1], [0], [0], [1], [0, 0, 1, 1], [], []>, transpose_lhs_hint = false} : vector<10000x128xf32>, vector<128x128xf32>, vector<10000x128xf32> -> vector<10000x128xf32>
    %get3A_20 = arith.constant 0 : index
    %get3A_21 = arith.constant 0 : index
    %get3A_22 = vector.load %arg6[%get3A_20, %get3A_21] : memref<1x128xf32, #tpu.memory_space<vmem>>, vector<1x128xf32>
    %add3A_23 = vector.broadcast %get3A_22 : vector<1x128xf32> to vector<10000x128xf32>
    %add3A_24 = arith.addf %dot_general3A_19, %add3A_23 : vector<10000x128xf32>
    %get3A_25 = arith.constant 0 : index
    %get3A_26 = arith.constant 0 : index
    %get3A_27 = vector.load %arg7[%get3A_25, %get3A_26] : memref<1x128xf32, #tpu.memory_space<vmem>>, vector<1x128xf32>
    %get3A_28 = arith.constant 0 : index
    %get3A_29 = arith.constant 0 : index
    %get3A_30 = vector.load %arg8[%get3A_28, %get3A_29] : memref<1x128xf32, #tpu.memory_space<vmem>>, vector<1x128xf32>
    %reduce_sum3A = arith.constant dense<0.000000e+00> : vector<128xf32>
    %reduce_sum3A_31 = vector.multi_reduction <add>, %add3A_24, %reduce_sum3A [0] : vector<10000x128xf32> to vector<128xf32>
    %broadcast_in_dim3A = vector.shape_cast %reduce_sum3A_31 : vector<128xf32> to vector<1x128xf32>
    %div3A = arith.constant 1.000000e+04 : f32
    %div3A_32 = vector.broadcast %div3A : f32 to vector<1x128xf32>
    %div3A_33 = arith.divf %broadcast_in_dim3A, %div3A_32 : vector<1x128xf32>
    %sub3A = vector.broadcast %div3A_33 : vector<1x128xf32> to vector<10000x128xf32>
    %sub3A_34 = arith.subf %add3A_24, %sub3A : vector<10000x128xf32>
    %mul3A = arith.mulf %sub3A_34, %sub3A_34 : vector<10000x128xf32>
    %reduce_sum3A_35 = arith.constant dense<0.000000e+00> : vector<128xf32>
    %reduce_sum3A_36 = vector.multi_reduction <add>, %mul3A, %reduce_sum3A_35 [0] : vector<10000x128xf32> to vector<128xf32>
    %broadcast_in_dim3A_37 = vector.shape_cast %reduce_sum3A_36 : vector<128xf32> to vector<1x128xf32>
    %div3A_38 = arith.constant 1.000000e+04 : f32
    %div3A_39 = vector.broadcast %div3A_38 : f32 to vector<1x128xf32>
    %div3A_40 = arith.divf %broadcast_in_dim3A_37, %div3A_39 : vector<1x128xf32>
    %mul3A_41 = vector.broadcast %get3A_27 : vector<1x128xf32> to vector<10000x128xf32>
    %mul3A_42 = arith.mulf %mul3A_41, %sub3A_34 : vector<10000x128xf32>
    %add3A_43 = arith.constant 9.99999974E-6 : f32
    %add3A_44 = vector.broadcast %add3A_43 : f32 to vector<1x128xf32>
    %add3A_45 = arith.addf %div3A_40, %add3A_44 : vector<1x128xf32>
    %sqrt3A = math.sqrt %add3A_45 : vector<1x128xf32>
    %div3A_46 = vector.broadcast %sqrt3A : vector<1x128xf32> to vector<10000x128xf32>
    %div3A_47 = arith.divf %mul3A_42, %div3A_46 : vector<10000x128xf32>
    %add3A_48 = vector.broadcast %get3A_30 : vector<1x128xf32> to vector<10000x128xf32>
    %add3A_49 = arith.addf %div3A_47, %add3A_48 : vector<10000x128xf32>
    %max3A = arith.constant 0.000000e+00 : f32
    %max3A_50 = vector.broadcast %max3A : f32 to vector<10000x128xf32>
    %max3A_51 = arith.maximumf %add3A_49, %max3A_50 : vector<10000x128xf32>
    %get3A_52 = arith.constant 0 : index
    %get3A_53 = arith.constant 0 : index
    %get3A_54 = vector.load %arg9[%get3A_52, %get3A_53] : memref<128x128xf32, #tpu.memory_space<vmem>>, vector<128x128xf32>
    %dot_general3A_55 = arith.constant dense<0.000000e+00> : vector<10000x128xf32>
    %dot_general3A_56 = tpu.matmul %max3A_51, %get3A_54, %dot_general3A_55 {dimension_numbers = #tpu.dot_dimension_numbers<[1], [0], [0], [1], [0, 0, 1, 1], [], []>, transpose_lhs_hint = false} : vector<10000x128xf32>, vector<128x128xf32>, vector<10000x128xf32> -> vector<10000x128xf32>
    %get3A_57 = arith.constant 0 : index
    %get3A_58 = arith.constant 0 : index
    %get3A_59 = vector.load %arg10[%get3A_57, %get3A_58] : memref<1x128xf32, #tpu.memory_space<vmem>>, vector<1x128xf32>
    %add3A_60 = vector.broadcast %get3A_59 : vector<1x128xf32> to vector<10000x128xf32>
    %add3A_61 = arith.addf %dot_general3A_56, %add3A_60 : vector<10000x128xf32>
    %get3A_62 = arith.constant 0 : index
    %get3A_63 = arith.constant 0 : index
    %get3A_64 = vector.load %arg11[%get3A_62, %get3A_63] : memref<1x128xf32, #tpu.memory_space<vmem>>, vector<1x128xf32>
    %get3A_65 = arith.constant 0 : index
    %get3A_66 = arith.constant 0 : index
    %get3A_67 = vector.load %arg12[%get3A_65, %get3A_66] : memref<1x128xf32, #tpu.memory_space<vmem>>, vector<1x128xf32>
    %reduce_sum3A_68 = arith.constant dense<0.000000e+00> : vector<128xf32>
    %reduce_sum3A_69 = vector.multi_reduction <add>, %add3A_61, %reduce_sum3A_68 [0] : vector<10000x128xf32> to vector<128xf32>
    %broadcast_in_dim3A_70 = vector.shape_cast %reduce_sum3A_69 : vector<128xf32> to vector<1x128xf32>
    %div3A_71 = arith.constant 1.000000e+04 : f32
    %div3A_72 = vector.broadcast %div3A_71 : f32 to vector<1x128xf32>
    %div3A_73 = arith.divf %broadcast_in_dim3A_70, %div3A_72 : vector<1x128xf32>
    %sub3A_74 = vector.broadcast %div3A_73 : vector<1x128xf32> to vector<10000x128xf32>
    %sub3A_75 = arith.subf %add3A_61, %sub3A_74 : vector<10000x128xf32>
    %mul3A_76 = arith.mulf %sub3A_75, %sub3A_75 : vector<10000x128xf32>
    %reduce_sum3A_77 = arith.constant dense<0.000000e+00> : vector<128xf32>
    %reduce_sum3A_78 = vector.multi_reduction <add>, %mul3A_76, %reduce_sum3A_77 [0] : vector<10000x128xf32> to vector<128xf32>
    %broadcast_in_dim3A_79 = vector.shape_cast %reduce_sum3A_78 : vector<128xf32> to vector<1x128xf32>
    %div3A_80 = arith.constant 1.000000e+04 : f32
    %div3A_81 = vector.broadcast %div3A_80 : f32 to vector<1x128xf32>
    %div3A_82 = arith.divf %broadcast_in_dim3A_79, %div3A_81 : vector<1x128xf32>
    %mul3A_83 = vector.broadcast %get3A_64 : vector<1x128xf32> to vector<10000x128xf32>
    %mul3A_84 = arith.mulf %mul3A_83, %sub3A_75 : vector<10000x128xf32>
    %add3A_85 = arith.constant 9.99999974E-6 : f32
    %add3A_86 = vector.broadcast %add3A_85 : f32 to vector<1x128xf32>
    %add3A_87 = arith.addf %div3A_82, %add3A_86 : vector<1x128xf32>
    %sqrt3A_88 = math.sqrt %add3A_87 : vector<1x128xf32>
    %div3A_89 = vector.broadcast %sqrt3A_88 : vector<1x128xf32> to vector<10000x128xf32>
    %div3A_90 = arith.divf %mul3A_84, %div3A_89 : vector<10000x128xf32>
    %add3A_91 = vector.broadcast %get3A_67 : vector<1x128xf32> to vector<10000x128xf32>
    %add3A_92 = arith.addf %div3A_90, %add3A_91 : vector<10000x128xf32>
    %max3A_93 = arith.constant 0.000000e+00 : f32
    %max3A_94 = vector.broadcast %max3A_93 : f32 to vector<10000x128xf32>
    %max3A_95 = arith.maximumf %add3A_92, %max3A_94 : vector<10000x128xf32>
    %swap3A = arith.constant 0 : index
    %swap3A_96 = arith.constant 0 : index
    %swap3A_97 = vector.load %arg20[%swap3A, %swap3A_96] : memref<10000x128xf32, #tpu.memory_space<vmem>>, vector<10000x128xf32>
    tpu.vector_store %arg20[%swap3A, %swap3A_96], %max3A_95 {strides = array<i32>} : memref<10000x128xf32, #tpu.memory_space<vmem>>, vector<10000x128xf32>,
    %iota3A = tpu.iota {dimensions = array<i32: 0>} : vector<64x10000xi32>
    %get3A_98 = arith.constant 0 : index
    %get3A_99 = arith.constant 0 : index
    %get3A_100 = vector.load %arg13[%get3A_98, %get3A_99] : memref<1x10000xi32, #tpu.memory_space<vmem>>, vector<1x10000xi32>
    %eq3A = vector.broadcast %get3A_100 : vector<1x10000xi32> to vector<64x10000xi32>
    %eq3A_101 = arith.cmpi eq, %iota3A, %eq3A : vector<64x10000xi32>
    %convert_element_type3A = arith.extui %eq3A_101 : vector<64x10000xi1> to vector<64x10000xi32>
    %convert_element_type3A_102 = arith.sitofp %convert_element_type3A : vector<64x10000xi32> to vector<64x10000xf32>
    %dot_general3A_103 = arith.constant dense<0.000000e+00> : vector<64x128xf32>
    %dot_general3A_104 = tpu.matmul %convert_element_type3A_102, %max3A_95, %dot_general3A_103 {dimension_numbers = #tpu.dot_dimension_numbers<[1], [0], [0], [1], [0, 0, 1, 1], [], []>, precision = #tpu.contract_precision<fp32>, transpose_lhs_hint = false} : vector<64x10000xf32>, vector<10000x128xf32>, vector<64x128xf32> -> vector<64x128xf32>
    %reduce_sum3A_105 = arith.constant dense<0.000000e+00> : vector<64xf32>
    %reduce_sum3A_106 = vector.multi_reduction <add>, %convert_element_type3A_102, %reduce_sum3A_105 [1] : vector<64x10000xf32> to vector<64xf32>
    %broadcast_in_dim3A_107 = vector.shape_cast %reduce_sum3A_106 : vector<64xf32> to vector<64x1xf32>
    %max3A_108 = arith.constant 1.000000e+00 : f32
    %max3A_109 = vector.broadcast %max3A_108 : f32 to vector<64x1xf32>
    %max3A_110 = arith.maximumf %broadcast_in_dim3A_107, %max3A_109 : vector<64x1xf32>
    %div3A_111 = vector.broadcast %max3A_110 : vector<64x1xf32> to vector<64x128xf32>
    %div3A_112 = arith.divf %dot_general3A_104, %div3A_111 : vector<64x128xf32>
    %swap3A_113 = arith.constant 0 : index
    %swap3A_114 = arith.constant 0 : index
    %swap3A_115 = vector.load %arg21[%swap3A_113, %swap3A_114] : memref<64x128xf32, #tpu.memory_space<vmem>>, vector<64x128xf32>
    tpu.vector_store %arg21[%swap3A_113, %swap3A_114], %div3A_112 {strides = array<i32>} : memref<64x128xf32, #tpu.memory_space<vmem>>, vector<64x128xf32>,
    %get3A_116 = arith.constant 0 : index
    %get3A_117 = arith.constant 0 : index
    %get3A_118 = vector.load %arg14[%get3A_116, %get3A_117] : memref<128x64xf32, #tpu.memory_space<vmem>>, vector<128x64xf32>
    %dot_general3A_119 = arith.constant dense<0.000000e+00> : vector<64x64xf32>
    %dot_general3A_120 = tpu.matmul %div3A_112, %get3A_118, %dot_general3A_119 {dimension_numbers = #tpu.dot_dimension_numbers<[1], [0], [0], [1], [0, 0, 1, 1], [], []>, transpose_lhs_hint = false} : vector<64x128xf32>, vector<128x64xf32>, vector<64x64xf32> -> vector<64x64xf32>
    %get3A_121 = arith.constant 0 : index
    %get3A_122 = arith.constant 0 : index
    %get3A_123 = vector.load %arg15[%get3A_121, %get3A_122] : memref<1x64xf32, #tpu.memory_space<vmem>>, vector<1x64xf32>
    %add3A_124 = vector.broadcast %get3A_123 : vector<1x64xf32> to vector<64x64xf32>
    %add3A_125 = arith.addf %dot_general3A_120, %add3A_124 : vector<64x64xf32>
    %get3A_126 = arith.constant 0 : index
    %get3A_127 = arith.constant 0 : index
    %get3A_128 = vector.load %arg16[%get3A_126, %get3A_127] : memref<1x64xf32, #tpu.memory_space<vmem>>, vector<1x64xf32>
    %get3A_129 = arith.constant 0 : index
    %get3A_130 = arith.constant 0 : index
    %get3A_131 = vector.load %arg17[%get3A_129, %get3A_130] : memref<1x64xf32, #tpu.memory_space<vmem>>, vector<1x64xf32>
    %reduce_sum3A_132 = arith.constant dense<0.000000e+00> : vector<64xf32>
    %reduce_sum3A_133 = vector.multi_reduction <add>, %add3A_125, %reduce_sum3A_132 [0] : vector<64x64xf32> to vector<64xf32>
    %broadcast_in_dim3A_134 = vector.shape_cast %reduce_sum3A_133 : vector<64xf32> to vector<1x64xf32>
    %div3A_135 = arith.constant 6.400000e+01 : f32
    %div3A_136 = vector.broadcast %div3A_135 : f32 to vector<1x64xf32>
    %div3A_137 = arith.divf %broadcast_in_dim3A_134, %div3A_136 : vector<1x64xf32>
    %sub3A_138 = vector.broadcast %div3A_137 : vector<1x64xf32> to vector<64x64xf32>
    %sub3A_139 = arith.subf %add3A_125, %sub3A_138 : vector<64x64xf32>
    %mul3A_140 = arith.mulf %sub3A_139, %sub3A_139 : vector<64x64xf32>
    %reduce_sum3A_141 = arith.constant dense<0.000000e+00> : vector<64xf32>
    %reduce_sum3A_142 = vector.multi_reduction <add>, %mul3A_140, %reduce_sum3A_141 [0] : vector<64x64xf32> to vector<64xf32>
    %broadcast_in_dim3A_143 = vector.shape_cast %reduce_sum3A_142 : vector<64xf32> to vector<1x64xf32>
    %div3A_144 = arith.constant 6.400000e+01 : f32
    %div3A_145 = vector.broadcast %div3A_144 : f32 to vector<1x64xf32>
    %div3A_146 = arith.divf %broadcast_in_dim3A_143, %div3A_145 : vector<1x64xf32>
    %mul3A_147 = vector.broadcast %get3A_128 : vector<1x64xf32> to vector<64x64xf32>
    %mul3A_148 = arith.mulf %mul3A_147, %sub3A_139 : vector<64x64xf32>
    %add3A_149 = arith.constant 9.99999974E-6 : f32
    %add3A_150 = vector.broadcast %add3A_149 : f32 to vector<1x64xf32>
    %add3A_151 = arith.addf %div3A_146, %add3A_150 : vector<1x64xf32>
    %sqrt3A_152 = math.sqrt %add3A_151 : vector<1x64xf32>
    %div3A_153 = vector.broadcast %sqrt3A_152 : vector<1x64xf32> to vector<64x64xf32>
    %div3A_154 = arith.divf %mul3A_148, %div3A_153 : vector<64x64xf32>
    %add3A_155 = vector.broadcast %get3A_131 : vector<1x64xf32> to vector<64x64xf32>
    %add3A_156 = arith.addf %div3A_154, %add3A_155 : vector<64x64xf32>
    %max3A_157 = arith.constant 0.000000e+00 : f32
    %max3A_158 = vector.broadcast %max3A_157 : f32 to vector<64x64xf32>
    %max3A_159 = arith.maximumf %add3A_156, %max3A_158 : vector<64x64xf32>
    %get3A_160 = arith.constant 0 : index
    %get3A_161 = arith.constant 0 : index
    %get3A_162 = vector.load %arg18[%get3A_160, %get3A_161] : memref<64x128xf32, #tpu.memory_space<vmem>>, vector<64x128xf32>
    %dot_general3A_163 = arith.constant dense<0.000000e+00> : vector<64x128xf32>
    %dot_general3A_164 = tpu.matmul %max3A_159, %get3A_162, %dot_general3A_163 {dimension_numbers = #tpu.dot_dimension_numbers<[1], [0], [0], [1], [0, 0, 1, 1], [], []>, transpose_lhs_hint = false} : vector<64x64xf32>, vector<64x128xf32>, vector<64x128xf32> -> vector<64x128xf32>
    %get3A_165 = arith.constant 0 : index
    %get3A_166 = arith.constant 0 : index
    %get3A_167 = vector.load %arg19[%get3A_165, %get3A_166] : memref<1x128xf32, #tpu.memory_space<vmem>>, vector<1x128xf32>
    %add3A_168 = vector.broadcast %get3A_167 : vector<1x128xf32> to vector<64x128xf32>
    %add3A_169 = arith.addf %dot_general3A_164, %add3A_168 : vector<64x128xf32>
    %swap3A_170 = arith.constant 0 : index
    %swap3A_171 = arith.constant 0 : index
    %swap3A_172 = vector.load %arg22[%swap3A_170, %swap3A_171] : memref<64x128xf32, #tpu.memory_space<vmem>>, vector<64x128xf32>
    tpu.vector_store %arg22[%swap3A_170, %swap3A_171], %add3A_169 {strides = array<i32>} : memref<64x128xf32, #tpu.memory_space<vmem>>, vector<64x128xf32>,
    return
  }
}

</mosaic_0001>

<sc_bundles>
// kernel: kernel.6.cloned.1.call-start
scs
__scs_entry_jumppad:
0x0: {  	(pc) =	sbr.rel $0x88, $3  }
0x1: {  	(tag) =	ssettag $0x0;
	lr =	simm.s32 $0x1  }
0x2: {  	[smem:$0x3F88] =	sst lr;
	_ =	strace $0xD0000000  }
0x3: {  	_ = 	snop  }
0x4: {  	_ = 	snop  }
0x5: {  	_ = 	snop  }
0x6: {  	_ = 	snop  }
0x7: {  	_ = 	snop  }
__scs_overlays_trampoline_lowered:
0x8: {  	[smem:$0x3F97] =	sst s0  }
0x9: {  	[smem:$0x3F98] =	sst s1  }
0xa: {  	[smem:$0x3F99] =	sst s2  }
0xb: {  	[smem:$0x3F9A] =	sst s3  }
0xc: {  	[smem:$0x3F9B] =	sst s4  }
0xd: {  	[smem:$0x3F9C] =	sst s5  }
0xe: {  	[smem:$0x3F9D] =	sst s6  }
0xf: {  	[smem:$0x3F9E] =	sst s7  }
0x10: {  	[smem:$0x3F9F] =	sst s8  }
0x11: {  	[smem:$0x3FA0] =	sst s9;
	s0 =	simm.s32 @!p0 $0x0  }
0x12: {  	s1 =	sld [smem:$0x3F86];
	s0 =	simm.s32 @p0 $0x1  }
0x13: {  	[smem:$0x3FA1] =	sst s0;
	s0 =	simm.s32 @!p1 $0x0  }
0x14: {  	s2 =	sld [smem:$0x3F85];
	s0 =	simm.s32 @p1 $0x1  }
0x15: {  	[smem:$0x3FA2] =	sst s0;
	s0 =	simm.s32 @!p2 $0x0  }
0x16: {  	s3 =	sld [smem:$0x3FDB];
	s0 =	simm.s32 @p2 $0x1  }
0x17: {  	s4 =	simm.s32 $0x1BF5;
	[smem:$0x3FA4] =	sst s0  }
0x18: {  	s0 =	sld [smem:$0x3F87];
	_ =	swait.ge [sflag:s4], $0x0  }
0x19: {  	s7 =	sld [smem:$0x3F88]  }
0x1a: {  	s8 =	sadd.s32 $0xFFFFE003, lr  }
0x1b: {  	s9 =	sadd.s32 $0xFFFFFEF7, lr;
	s5 =	simm.s32 $0xFFFFFFFF;
	p2 =	slt.u32 s8, $0xFFFFF086  }
0x1c: {  	p1 =	slt.u32 s9, $0xF7A;
	s5 =	simm.s32 @!p2 $0x0  }
0x1d: {  	s5 =	simm.s32 @p1 $0x1;
	p0 =	seq.s32 s7, s2  }
0x1e: {  	s7 =	smul.u32 @!p0 $0xF7A, s2;
	p2 =	seq.s32 @!p0 s5, $0x0  }
0x1f: {  	s9 =	smul.u32 $0xF7A, s1;
	s8 =	simm.s32 @!p0 $0x1BF5;
	p2 =	por !p2, p0  }
0x20: {  	[sflag:s8] =	ssyncset.s32 @!p0 $0xFFFFF086;
	s6 =	sadd.s32 @!p0 s3, s7;
	s7 =	simm.s32 @!p0 $0x108  }
0x21: {  	s3 =	sadd.s32 s3, s9;
	s6 =	sadd.s32 @!p0 $0x88, s6;
	s7 =	simm.s32 @p2 $0x1082  }
0x22: {  	[simem:s7], [sflag:s8] =	dma.local @!p0 [hbm:s6], $0xF7A  }
0x23: {  	s9 =	sor.u32 $0xD0000000, s2;
	s6 =	simm.s32 $0x108;
	_ =	swait.ge @!p0 [sflag:s8], $0x0  }
0x24: {  	s3 =	sadd.s32 $0x88, s3;
	s6 =	simm.s32 @!p1 $0x1082;
	[sflag:s4] =	ssyncset.s32 $0xFFFFF086  }
0x25: {  	[simem:s6], [sflag:s4] =	dma.local [hbm:s3], $0xF7A  }
0x26: {  	[smem:$0x3F88] =	sst s1;
	(tag) =	ssettag s2;
	_ =	strace s9  }
0x27: {  	s1 =	sld [smem:$0x3F98]  }
0x28: {  	s2 =	sld [smem:$0x3F99]  }
0x29: {  	s4 =	sld [smem:$0x3F9B]  }
0x2a: {  	p0 =	seq.s32 s5, $0x0;
	s5 =	sld [smem:$0x3F9C]  }
0x2b: {  	s6 =	sld [smem:$0x3F9D]  }
0x2c: {  	s7 =	sld [smem:$0x3F9E]  }
0x2d: {  	s3 =	simm.s32 $0x108;
	s8 =	sld [smem:$0x3F9F]  }
0x2e: {  	s3 =	simm.s32 @!p0 $0x1082;
	s9 =	sld [smem:$0x3FA0]  }
0x2f: {  	lr =	sadd.s32 s0, s3;
	s0 =	sld [smem:$0x3F97]  }
0x30: {  	s3 =	sld [smem:$0x3F9A]  }
0x31: {  	[smem:$0x3FA3] =	sst s10  }
0x32: {  	s10 =	sld [smem:$0x3FA1];
	_ =	sdelay $0x3  }
0x33: {  	p0 =	seq.s32 s10, $0x1;
	s10 =	sld [smem:$0x3FA3];
	_ =	sdelay $0x3  }
0x34: {  	[smem:$0x3FA3] =	sst s10  }
0x35: {  	s10 =	sld [smem:$0x3FA2];
	_ =	sdelay $0x3  }
0x36: {  	p1 =	seq.s32 s10, $0x1;
	s10 =	sld [smem:$0x3FA3];
	_ =	sdelay $0x3  }
0x37: {  	[smem:$0x3FA3] =	sst s10  }
0x38: {  	s10 =	sld [smem:$0x3FA4]  }
0x39: {  	_ = 	snop;
	(pc) =	sbr.ind lr, $3  }
0x3a: {  	_ = 	snop  }
0x3b: {  	_ = 	snop  }
0x3c: {  	p2 =	seq.s32 s10, $0x1;
	s10 =	sld [smem:$0x3FA3]  }
0x3d: {  	_ =	shalt  }
0x3e: {  	_ =	shalt  }
0x3f: {  	_ =	shalt  }
0x40: {  	_ =	shalt  }
0x41: {  	_ =	shalt  }
0x42: {  	_ =	shalt  }
0x43: {  	_ =	shalt  }
0x44: {  	_ =	shalt  }
0x45: {  	_ =	shalt  }
0x46: {  	_ =	shalt  }
0x47: {  	_ =	shalt  }
0x48: {  	_ =	shalt  }
0x49: {  	_ =	shalt  }
0x4a: {  	_ =	shalt  }
0x4b: {  	_ =	shalt  }
0x4c: {  	_ =	shalt  }
0x4d: {  	_ =	shalt  }
0x4e: {  	_ =	shalt  }
0x4f: {  	_ =	shalt  }
0x50: {  	_ =	shalt  }
0x51: {  	_ =	shalt  }
0x52: {  	_ =	shalt  }
0x53: {  	_ =	shalt  }
0x54: {  	_ =	shalt  }
0x55: {  	_ =	shalt  }
0x56: {  	_ =	shalt  }
0x57: {  	_ =	shalt  }
0x58: {  	_ =	shalt  }
0x59: {  	_ =	shalt  }
0x5a: {  	_ =	shalt  }
0x5b: {  	_ =	shalt  }
0x5c: {  	_ =	shalt  }
0x5d: {  	_ =	shalt  }
0x5e: {  	_ =	shalt  }
0x5f: {  	_ =	shalt  }
0x60: {  	_ =	shalt  }
0x61: {  	_ =	shalt  }
0x62: {  	_ =	shalt  }
0x63: {  	_ =	shalt  }
0x64: {  	_ =	shalt  }
0x65: {  	_ =	shalt  }
0x66: {  	_ =	shalt  }
0x67: {  	_ =	shalt  }
0x68: {  	_ =	shalt  }
0x69: {  	_ =	shalt  }
0x6a: {  	_ =	shalt  }
0x6b: {  	_ =	shalt  }
0x6c: {  	_ =	shalt  }
0x6d: {  	_ =	shalt  }
0x6e: {  	_ =	shalt  }
0x6f: {  	_ =	shalt  }
0x70: {  	_ =	shalt  }
0x71: {  	_ =	shalt  }
0x72: {  	_ =	shalt  }
0x73: {  	_ =	shalt  }
0x74: {  	_ =	shalt  }
0x75: {  	_ =	shalt  }
0x76: {  	_ =	shalt  }
0x77: {  	_ =	shalt  }
0x78: {  	_ =	shalt  }
0x79: {  	_ =	shalt  }
0x7a: {  	_ =	shalt  }
0x7b: {  	_ =	shalt  }
0x7c: {  	_ =	shalt  }
0x7d: {  	_ =	shalt  }
0x7e: {  	_ =	shalt  }
0x7f: {  	_ =	shalt  }
0x80: {  	_ =	shalt  }
0x81: {  	_ =	shalt  }
0x82: {  	_ =	shalt  }
0x83: {  	_ =	shalt  }
0x84: {  	_ =	shalt  }
0x85: {  	_ =	shalt  }
0x86: {  	_ =	shalt  }
0x87: {  	_ =	shalt  }
.Lfunc_end0:
.L_simem_size_0:
called_computation_lowered:
.L_overlay_start_0:
0x88: {  	s2 =	sld [smem:$0x3FD9]  }
0x89: {  	s3 =	sld [smem:$0x3FFE];
	_ =	sdelay $0x1  }
0x8a: {  	s1 =	srdreg.scid  }
0x8b: {  	s0 =	sand.u32 $0x1, s1  }
0x8c: {  	s14 =	sshll.u32 s0, $0xA;
	s2 =	sadd.s32 s3, s2  }
0x8d: {  	s2 =	sadd.s32 s2, s14  }
0x8e: {  	[smem:$0x3FAF] =	sst s2  }
0x8f: {  	_ = 	snop  }
0x90: {  	s2 =	sld [smem:$0x3FD0];
	_ =	sdelay $0x2  }
0x91: {  	s15 =	simm.s32 $0xA;
	s4 =	simm.s32 $0x10  }
0x92: {  	[smem:s4], [sflag:s15] =	dma.local [hbm:s2], $0x1  }
0x93: {  	_ =	swait.eq [sflag:s15], $0x1  }
0x94: {  	[sflag:s15] =	ssyncset.done $0x0  }
0x95: {  	s16 =	sld [smem:$0x11];
	[sflag:s15] =	ssyncadd.s32 $0xFFFFFFFF  }
0x96: {  	s17 =	sld [smem:$0x12];
	(tm) =	ssettm $0x1  }
0x97: {  	s18 =	sld [smem:$0x3FFB];
	_ =	sdelay $0x3  }
0x98: {  	_ =	strace s18  }
0x99: {  	s4 =	sld [smem:$0x3FFC];
	_ =	sdelay $0x3  }
0x9a: {  	_ =	strace s4  }
0x9b: {  	s4 =	sld [smem:$0x3FFD];
	_ =	sdelay $0x3  }
0x9c: {  	_ =	strace s4  }
0x9d: {  	_ =	strace $0x8FFFFFFF  }
0x9e: {  	s19 =	sld [smem:$0x3FDB];
	_ =	sdelay $0x1  }
0x9f: {  	s5 =	simm.s32 $_scs_section_size  }
0xa0: {  	s6 =	simm.s32 $_size__tile_overlayer_lowered;
	s7 =	simm.s32 $_tile_overlayer_lowered  }
0xa1: {  	s22 =	simm.s32 $0x1BFF;
	s21 =	sshll.u32 s7, $0x1;
	s4 =	sadd.s32 s5, s19  }
0xa2: {  	s8 =	simm.s32 $0x0;
	s20 =	sshll.u32 s6, $0x1;
	s6 =	sadd.s32 s21, s4  }
0xa3: {  	[timem:s8], [sflag:s22] =	dma.local [hbm:s6], s20  }
0xa4: {  	_ =	swait.ge [sflag:s22], s20  }
0xa5: {  	s5 =	ssub.s32 $0x0, s20;
	[sflag:s22] =	ssyncset.done $0x0  }
0xa6: {  	[sflag:s22] =	ssyncadd.s32 s5;
	_ =	sdelay $0x1  }
0xa7: {  	s23 =	simm.s32 $0x1B8B  }
0xa8: {  	_ =	swait.ge [sflag:s23], $0x1  }
0xa9: {  	[sflag:s23] =	ssyncset.done $0x0  }
0xaa: {  	s25 =	simm.s32 $0x1B8E;
	s24 =	sld [smem:$0x3FFE];
	[sflag:s23] =	ssyncadd.s32 $0xFFFFFFFF  }
0xab: {  	s26 =	simm.s32 $execute0_lowered;
	[smem:$0x3FD2] =	sst s25  }
0xac: {  	s6 =	sshll.u32 s26, $0x1;
	_ =	strace $0x80000046;
	[dreg:$0x1] =	wrdreg $0xFFFFFFFF  }
0xad: {  	s28 =	simm.s32 $_size_execute0_lowered;
	s4 =	sadd.s32 s4, s6;
	[dreg:$0x0] =	wrdreg $0x0  }
0xae: {  	s6 =	sshll.u32 s28, $0x1;
	[dreg:$0x2] =	wrdreg s4  }
0xaf: {  	[dreg:$0x3] =	wrdreg s6  }
0xb0: {  	[dreg:$0x4] =	wrdreg $0xC0  }
0xb1: {  	_ =	task [dreg:s8], $0x5FFFF  }
0xb2: {  	[dreg:$0x1] =	wrdreg $0xFFFFFFFF  }
0xb3: {  	[dreg:$0x0] =	wrdreg $0x60  }
0xb4: {  	[dreg:$0x2] =	wrdreg s17  }
0xb5: {  	[dreg:$0x3] =	wrdreg s16  }
0xb6: {  	[dreg:$0x4] =	wrdreg s24  }
0xb7: {  	[dreg:$0x5] =	wrdreg $0x9F000  }
0xb8: {  	[dreg:$0x6] =	wrdreg $0x9  }
0xb9: {  	_ =	task.clear_ibuf [dreg:s8], $0x7FFFF;
	_ =	strace $0x90000046  }
0xba: {  	s29 =	simm.s32 $0x9;
	_ =	strace $0x80000048  }
0xbb: {  	_ =	swait.ge [sflag:s29], $0x1  }
0xbc: {  	[sflag:s29] =	ssyncadd.s32 $0xFFFFFFFF  }
0xbd: {  	_ =	strace $0x90000048  }
0xbe: {  	_ =	sfence  }
0xbf: {  	s30 =	sld [smem:$0x0];
	_ =	sdelay $0x2  }
0xc0: {  	s31 =	sshll.u32 s1, $0xD;
	s1 =	sshrl.u32 s1, $0x2  }
0xc1: {  	s3 =	sand.u32 $0x4000, s31;
	s1 =	sadd.s32 s1, s30  }
0xc2: {  	s0 =	sor.u32 s3, s0;
	s1 =	sshll.u32 s1, $0x11  }
0xc3: {  	s0 =	sor.u32 s1, s0  }
0xc4: {  	s0 =	sadd.s32 $0x8F2B, s0  }
0xc5: {  	[sflag:s0] =	ssyncadd.remote.s32 $0x1  }
0xc6: {  	_ =	sfence.sel $0xFFFF  }
0xc7: {  	[dreg:$0x0] =	wrdreg $0xFFFFFFFF;
	(pc) =	sbr.abs _section_cstart, $3  }
0xc8: {  	[dreg:$0x1] =	wrdreg $0xFFFFFFFF  }
0xc9: {  	_ =	task.clear_ibuf [dreg:s8], $0x2FFFF;
	_ =	strace $0x9FFFFFFF  }
0xca: {  	(tm) =	ssettm $0x7FFFFFFF  }
0xcb: {  	_ =	shalt  }
tec
execute0_lowered:
.L_overlay_start_1:
0x0: {  	(tag) =	ssettag $0x1  }
0x1: {  	s1 =	rddreg [dreg:$0x0]  }
0x2: {  	s2 =	rddreg [dreg:$0x1]  }
0x3: {  	s0 =	rddreg [dreg:$0x2]  }
0x4: {  	s4 =	rddreg [dreg:$0x3]  }
0x5: {  	s3 =	srdreg.scid;
	s9 =	stileid.u32  }
0x6: {  	s5 =	simm.s32 $0x0;
	s21 =	simm.s32 $0x3;
	s28 =	simm.s32 $0x1  }
0x7: {  	s29 =	simm.s32 $0x2;
	s30 =	simm.s32 $0x4D80;
	s7 =	smul.u32 $0x280, s9  }
0x8: {  	s31 =	simm.s32 $0x2700;
	s3 =	sand.u32 $0x1, s3;
	s22 =	smul.u32 $0x28000, s9  }
0x9: {  	[smem:$0x7FF] =	sst s5;
	s6 =	sshll.u32 s3, $0x4;
	s8 =	smul.u32 $0x5000, s3  }
0xa: {  	_ =	strace $0x80000047;
	s3 =	ssub.s32 $0x2, s3;
	s6 =	sor.u32 s9, s6  }
0xb: {  	s23 =	sshrl.u32 s3, $0x1;
	s24 =	sshrl.u32 s22, $0x2;
	s22 =	simm.s32 $0x4E80  }
0xc: {  	s6 =	smul.u32 $0x4F0, s6;
	s7 =	sadd.s32 s7, s8;
	s3 =	ssub.s32 s3, s23  }
0xd: {  	s8 =	sadd.s32 s24, s4;
	s23 =	simm.s32 $0x8F00;
	s24 =	simm.s32 $0x80  }
0xe: {  	s7 =	sshll.u32 s7, $0x3;
	s11 =	smax.u32 s3, $0x1;
	s12 =	sadd.s32 $0x1000, s8  }
0xf: {  	s13 =	sadd.s32 $0x2000, s8;
	s14 =	sadd.s32 $0x3000, s8;
	s6 =	sadd.s32 s6, s0  }
0x10: {  	s15 =	sadd.s32 $0x4000, s8;
	s16 =	sadd.s32 $0x5000, s8;
	s25 =	sadd.s32 $0xDA00, s6  }
0x11: {  	s0 =	sadd.s32 s7, s0;
	s6 =	sadd.s32 $0x3C00, s6;
	[dreg:$0x5] =	wrdreg s25  }
0x12: {  	s17 =	sadd.s32 $0x6000, s8;
	s26 =	sadd.s32 $0x17800, s0;
	[dreg:$0x6] =	wrdreg s6  }
0x13: {  	s18 =	sadd.s32 $0x7000, s8;
	s0 =	sadd.s32 $0x2B800, s0;
	[dreg:$0x7] =	wrdreg s26  }
0x14: {  	s19 =	sadd.s32 $0x8000, s8;
	s20 =	sadd.s32 $0x9000, s8;
	[dreg:$0x8] =	wrdreg s0  }
0x15: {  	v0 =	vimm.f32 $0.0e+00;
	s25 =	simm.s32 $0x4F00;
	s26 =	simm.s32 $0x6F00;
	s0 =	simm.s32 $0x4E00  }
.LBB2_1:
0x16: {  	s6 =	simm.s32 $0x100;
	s3 =	simm.s32 $0x0  }
.LBB2_2:
0x17: {  	p0 =	sne.s32 s6, $0x3F00;
	[tilespmem:s3+$0x8F30] =	vst v0;
	s7 =	smov.u32 s6;
	s6 =	sadd.s32 $0x100, s6  }
.Ltmp0:
0x18: {  	[tilespmem:s3+$0x8F20] =	vst v0;
	(pc) =	sbr.rel @p0 .LBB2_2-.Ltmp0, $3  }
0x19: {  	[tilespmem:s3+$0x8F00] =	vst v0  }
0x1a: {  	[tilespmem:s3+$0x8F10] =	vst v0;
	_ =	sdelay $0x1  }
0x1b: {  	s3 =	sshra.s32 s7, $0x2  }
0x1c: {  	[tilespmem:s3+$0x8F30] =	vst v0  }
0x1d: {  	[tilespmem:s3+$0x8F20] =	vst v0  }
0x1e: {  	[tilespmem:s3+$0x8F00] =	vst v0  }
0x1f: {  	[tilespmem:s3+$0x8F10] =	vst v0;
	s9 =	simm.s32 $0x0;
	s6 =	rddreg [dreg:$0x5]  }
0x20: {  	[tilespmem:s9], [sflag:$0x3] =	stream.linear.gather [hbm4b:s6+s9], $0x2780, $0x38;
	[tilespmem:$0x13F00] =	vst v63  }
0x21: {  	_ =	swait.ge [sflag:s21], $0x2780  }
0x22: {  	[sflag:s21] =	ssyncset.done $0x0  }
0x23: {  	s7 =	simm.s32 $0x2780;
	s10 =	rddreg [dreg:$0x6];
	[sflag:s21] =	ssyncadd.s32 $0xFFFFD880  }
0x24: {  	[tilespmem:s7], [sflag:$0x3] =	stream.linear.gather [hbm4b:s10+s9], $0x2780, $0x38;
	[tilespmem:$0x13F00] =	vst v63  }
0x25: {  	_ =	swait.ge [sflag:s21], $0x2780  }
0x26: {  	[sflag:s21] =	ssyncset.done $0x0  }
0x27: {  	[sflag:s21] =	ssyncadd.s32 $0xFFFFD880  }
0x28: {  	[spmem:s8] =	stream.linear.scatter [tilespmem:s23], [sflag:$0x3], $0x1000, $0x38;
	[tilespmem:$0x13F00] =	vst v63  }
0x29: {  	_ =	swait.ge [sflag:s21], $0x1000  }
0x2a: {  	[sflag:s21] =	ssyncset.done $0x0  }
0x2b: {  	[sflag:s21] =	ssyncadd.s32 $0xFFFFF000  }
0x2c: {  	[spmem:s12] =	stream.linear.scatter [tilespmem:s23], [sflag:$0x3], $0x1000, $0x38;
	[tilespmem:$0x13F00] =	vst v63  }
0x2d: {  	_ =	swait.ge [sflag:s21], $0x1000  }
0x2e: {  	[sflag:s21] =	ssyncset.done $0x0  }
0x2f: {  	[sflag:s21] =	ssyncadd.s32 $0xFFFFF000  }
0x30: {  	[spmem:s13] =	stream.linear.scatter [tilespmem:s23], [sflag:$0x3], $0x1000, $0x38;
	[tilespmem:$0x13F00] =	vst v63  }
0x31: {  	_ =	swait.ge [sflag:s21], $0x1000  }
0x32: {  	[sflag:s21] =	ssyncset.done $0x0  }
0x33: {  	[sflag:s21] =	ssyncadd.s32 $0xFFFFF000  }
0x34: {  	[spmem:s14] =	stream.linear.scatter [tilespmem:s23], [sflag:$0x3], $0x1000, $0x38;
	[tilespmem:$0x13F00] =	vst v63  }
0x35: {  	_ =	swait.ge [sflag:s21], $0x1000  }
0x36: {  	[sflag:s21] =	ssyncset.done $0x0  }
0x37: {  	[sflag:s21] =	ssyncadd.s32 $0xFFFFF000  }
0x38: {  	[spmem:s15] =	stream.linear.scatter [tilespmem:s23], [sflag:$0x3], $0x1000, $0x38;
	[tilespmem:$0x13F00] =	vst v63  }
0x39: {  	_ =	swait.ge [sflag:s21], $0x1000  }
0x3a: {  	[sflag:s21] =	ssyncset.done $0x0  }
0x3b: {  	[sflag:s21] =	ssyncadd.s32 $0xFFFFF000  }
0x3c: {  	[spmem:s16] =	stream.linear.scatter [tilespmem:s23], [sflag:$0x3], $0x1000, $0x38;
	[tilespmem:$0x13F00] =	vst v63  }
0x3d: {  	_ =	swait.ge [sflag:s21], $0x1000  }
0x3e: {  	[sflag:s21] =	ssyncset.done $0x0  }
0x3f: {  	[sflag:s21] =	ssyncadd.s32 $0xFFFFF000  }
0x40: {  	[spmem:s17] =	stream.linear.scatter [tilespmem:s23], [sflag:$0x3], $0x1000, $0x38;
	[tilespmem:$0x13F00] =	vst v63  }
0x41: {  	_ =	swait.ge [sflag:s21], $0x1000  }
0x42: {  	[sflag:s21] =	ssyncset.done $0x0  }
0x43: {  	[sflag:s21] =	ssyncadd.s32 $0xFFFFF000  }
0x44: {  	[spmem:s18] =	stream.linear.scatter [tilespmem:s23], [sflag:$0x3], $0x1000, $0x38;
	[tilespmem:$0x13F00] =	vst v63  }
0x45: {  	_ =	swait.ge [sflag:s21], $0x1000  }
0x46: {  	[sflag:s21] =	ssyncset.done $0x0  }
0x47: {  	[sflag:s21] =	ssyncadd.s32 $0xFFFFF000  }
0x48: {  	[spmem:s19] =	stream.linear.scatter [tilespmem:s23], [sflag:$0x3], $0x1000, $0x38;
	[tilespmem:$0x13F00] =	vst v63  }
0x49: {  	_ =	swait.ge [sflag:s21], $0x1000  }
0x4a: {  	[sflag:s21] =	ssyncset.done $0x0  }
0x4b: {  	[sflag:s21] =	ssyncadd.s32 $0xFFFFF000  }
0x4c: {  	[spmem:s20] =	stream.linear.scatter [tilespmem:s23], [sflag:$0x3], $0x1000, $0x38;
	[tilespmem:$0x13F00] =	vst v63  }
0x4d: {  	_ =	swait.ge [sflag:s21], $0x1000  }
0x4e: {  	[sflag:s21] =	ssyncset.done $0x0  }
0x4f: {  	[sflag:s21] =	ssyncadd.s32 $0xFFFFF000  }
0x50: {  	[bflag:$0x0] =	sbarrier.arrive $0xFFFF  }
0x51: {  	[tilespmem:s25], [sflag:$0x1] =	stream.indirect.gather [hbm4b:s1+s24], $0x40, s9, s24, $0xb8;
	[tilespmem:$0x13F00] =	vst v63  }
0x52: {  	_ = 	snop  }
0x53: {  	[tilespmem:s26], [sflag:$0x2] =	stream.indirect.gather [hbm4b:s1+s24], $0x40, s24, s24, $0xb8;
	[tilespmem:$0x13F00] =	vst v63  }
0x54: {  	_ =	swait.ge [sflag:s28], $0x2000  }
0x55: {  	[sflag:s28] =	ssyncset.done $0x0  }
0x56: {  	s7 =	simm.s32 $0x2780;
	[sflag:s28] =	ssyncadd.s32 $0xFFFFE000  }
0x57: {  	[spmem:s4] =	stream.indirect.scatter.add.f32 [tilespmem:s25], [sflag:$0x3], $0x40, s7, s24, $0xb8;
	[tilespmem:$0x13F00] =	vst v63  }
0x58: {  	_ =	swait.ge [sflag:s21], $0x2000  }
0x59: {  	[sflag:s21] =	ssyncset.done $0x0  }
0x5a: {  	s9 =	simm.s32 $0x100;
	[sflag:s21] =	ssyncadd.s32 $0xFFFFE000  }
0x5b: {  	[tilespmem:s25], [sflag:$0x1] =	stream.indirect.gather [hbm4b:s1+s24], $0x40, s9, s24, $0xb8;
	[tilespmem:$0x13F00] =	vst v63  }
0x5c: {  	_ =	swait.ge [sflag:s29], $0x2000  }
0x5d: {  	[sflag:s29] =	ssyncset.done $0x0  }
0x5e: {  	s10 =	simm.s32 $0x2800;
	[sflag:s29] =	ssyncadd.s32 $0xFFFFE000  }
0x5f: {  	[spmem:s4] =	stream.indirect.scatter.add.f32 [tilespmem:s26], [sflag:$0x3], $0x40, s10, s24, $0xb8;
	[tilespmem:$0x13F00] =	vst v63  }
0x60: {  	_ =	swait.ge [sflag:s21], $0x2000  }
0x61: {  	[sflag:s21] =	ssyncset.done $0x0  }
0x62: {  	s3 =	simm.s32 $0x400;
	s6 =	simm.s32 $0x180;
	[sflag:s21] =	ssyncadd.s32 $0xFFFFE000  }
.LBB2_4:
0x63: {  	[tilespmem:s26], [sflag:$0x2] =	stream.indirect.gather [hbm4b:s1+s24], $0x40, s6, s24, $0xb8;
	[tilespmem:$0x13F00] =	vst v63  }
0x64: {  	s6 =	smov.u32 s3  }
0x65: {  	p0 =	sne.s32 s3, $0x9400;
	s3 =	sadd.s32 $0x400, s3;
	_ =	swait.ge [sflag:s28], $0x2000  }
0x66: {  	s6 =	sshra.s32 s6, $0x2;
	[sflag:s28] =	ssyncset.done $0x0  }
0x67: {  	s7 =	sadd.s32 $0x2780, s6;
	[sflag:s28] =	ssyncadd.s32 $0xFFFFE000  }
0x68: {  	[spmem:s4] =	stream.indirect.scatter.add.f32 [tilespmem:s25], [sflag:$0x3], $0x40, s7, s24, $0xb8;
	[tilespmem:$0x13F00] =	vst v63  }
0x69: {  	_ =	swait.ge [sflag:s21], $0x2000  }
0x6a: {  	[sflag:s21] =	ssyncset.done $0x0  }
0x6b: {  	s7 =	sadd.s32 $0x100, s6;
	[sflag:s21] =	ssyncadd.s32 $0xFFFFE000  }
0x6c: {  	[tilespmem:s25], [sflag:$0x1] =	stream.indirect.gather [hbm4b:s1+s24], $0x40, s7, s24, $0xb8;
	[tilespmem:$0x13F00] =	vst v63  }
0x6d: {  	_ =	swait.ge [sflag:s29], $0x2000  }
0x6e: {  	[sflag:s29] =	ssyncset.done $0x0  }
.Ltmp1:
0x6f: {  	s7 =	sadd.s32 $0x2800, s6;
	[sflag:s29] =	ssyncadd.s32 $0xFFFFE000;
	(pc) =	sbr.rel @p0 .LBB2_4-.Ltmp1, $4  }
0x70: {  	[spmem:s4] =	stream.indirect.scatter.add.f32 [tilespmem:s26], [sflag:$0x3], $0x40, s7, s24, $0xb8;
	[tilespmem:$0x13F00] =	vst v63  }
0x71: {  	_ =	swait.ge [sflag:s21], $0x2000  }
0x72: {  	[sflag:s21] =	ssyncset.done $0x0  }
0x73: {  	s6 =	sadd.s32 $0x180, s6;
	[sflag:s21] =	ssyncadd.s32 $0xFFFFE000  }
0x74: {  	[tilespmem:s26], [sflag:$0x2] =	stream.indirect.gather [hbm4b:s1+s24], $0x40, s6, s24, $0xb8;
	[tilespmem:$0x13F00] =	vst v63  }
0x75: {  	_ =	swait.ge [sflag:s28], $0x2000  }
0x76: {  	[sflag:s28] =	ssyncset.done $0x0  }
0x77: {  	[sflag:s28] =	ssyncadd.s32 $0xFFFFE000  }
0x78: {  	[spmem:s4] =	stream.indirect.scatter.add.f32 [tilespmem:s25], [sflag:$0x3], $0x40, s30, s24, $0xb8;
	[tilespmem:$0x13F00] =	vst v63  }
0x79: {  	_ =	swait.ge [sflag:s21], $0x2000  }
0x7a: {  	[sflag:s21] =	ssyncset.done $0x0  }
0x7b: {  	[sflag:s21] =	ssyncadd.s32 $0xFFFFE000  }
0x7c: {  	[tilespmem:s25], [sflag:$0x1] =	stream.indirect.gather [hbm4b:s1+s24], $0x40, s31, s24, $0xb8;
	[tilespmem:$0x13F00] =	vst v63  }
0x7d: {  	_ =	swait.ge [sflag:s29], $0x2000  }
0x7e: {  	[sflag:s29] =	ssyncset.done $0x0  }
0x7f: {  	[sflag:s29] =	ssyncadd.s32 $0xFFFFE000  }
0x80: {  	[spmem:s4] =	stream.indirect.scatter.add.f32 [tilespmem:s26], [sflag:$0x3], $0x40, s0, s24, $0xb8;
	[tilespmem:$0x13F00] =	vst v63  }
0x81: {  	_ =	swait.ge [sflag:s21], $0x2000  }
0x82: {  	[sflag:s21] =	ssyncset.done $0x0  }
0x83: {  	[sflag:s21] =	ssyncadd.s32 $0xFFFFE000  }
0x84: {  	_ =	swait.ge [sflag:s28], $0x2000  }
0x85: {  	[sflag:s28] =	ssyncset.done $0x0  }
0x86: {  	[sflag:s28] =	ssyncadd.s32 $0xFFFFE000  }
0x87: {  	[spmem:s4] =	stream.indirect.scatter.add.f32 [tilespmem:s25], [sflag:$0x3], $0x40, s22, s24, $0xb8;
	[tilespmem:$0x13F00] =	vst v63  }
0x88: {  	_ =	swait.ge [sflag:s21], $0x2000  }
0x89: {  	[sflag:s21] =	ssyncset.done $0x0  }
0x8a: {  	s3 =	stileid.u32;
	[sflag:s21] =	ssyncadd.s32 $0xFFFFE000  }
0x8b: {  	s3 =	sshll.u32 s3, $0x6;
	[bflag:$0x0] =	sbarrier.arrive $0xFFFF  }
0x8c: {  	s6 =	sshrl.u32 s8, $0x3;
	s3 =	sor.u32 $0x1C03, s3;
	s7 =	rddreg [dreg:$0x7]  }
0x8d: {  	[hbm:s7], [sflag:s3] =	dma.local [spmem:s6], $0x1400  }
0x8e: {  	_ =	swait.ge [sflag:s21], $0x1400  }
0x8f: {  	[sflag:s21] =	ssyncset.done $0x0  }
0x90: {  	[sflag:s21] =	ssyncadd.s32 $0xFFFFEC00  }
0x91: {  	[spmem:s8] =	stream.linear.scatter [tilespmem:s23], [sflag:$0x3], $0x1000, $0x38;
	[tilespmem:$0x13F00] =	vst v63  }
0x92: {  	_ =	swait.ge [sflag:s21], $0x1000  }
0x93: {  	[sflag:s21] =	ssyncset.done $0x0  }
0x94: {  	[sflag:s21] =	ssyncadd.s32 $0xFFFFF000  }
0x95: {  	[spmem:s12] =	stream.linear.scatter [tilespmem:s23], [sflag:$0x3], $0x1000, $0x38;
	[tilespmem:$0x13F00] =	vst v63  }
0x96: {  	_ =	swait.ge [sflag:s21], $0x1000  }
0x97: {  	[sflag:s21] =	ssyncset.done $0x0  }
0x98: {  	[sflag:s21] =	ssyncadd.s32 $0xFFFFF000  }
0x99: {  	[spmem:s13] =	stream.linear.scatter [tilespmem:s23], [sflag:$0x3], $0x1000, $0x38;
	[tilespmem:$0x13F00] =	vst v63  }
0x9a: {  	_ =	swait.ge [sflag:s21], $0x1000  }
0x9b: {  	[sflag:s21] =	ssyncset.done $0x0  }
0x9c: {  	[sflag:s21] =	ssyncadd.s32 $0xFFFFF000  }
0x9d: {  	[spmem:s14] =	stream.linear.scatter [tilespmem:s23], [sflag:$0x3], $0x1000, $0x38;
	[tilespmem:$0x13F00] =	vst v63  }
0x9e: {  	_ =	swait.ge [sflag:s21], $0x1000  }
0x9f: {  	[sflag:s21] =	ssyncset.done $0x0  }
0xa0: {  	[sflag:s21] =	ssyncadd.s32 $0xFFFFF000  }
0xa1: {  	[spmem:s15] =	stream.linear.scatter [tilespmem:s23], [sflag:$0x3], $0x1000, $0x38;
	[tilespmem:$0x13F00] =	vst v63  }
0xa2: {  	_ =	swait.ge [sflag:s21], $0x1000  }
0xa3: {  	[sflag:s21] =	ssyncset.done $0x0  }
0xa4: {  	[sflag:s21] =	ssyncadd.s32 $0xFFFFF000  }
0xa5: {  	[spmem:s16] =	stream.linear.scatter [tilespmem:s23], [sflag:$0x3], $0x1000, $0x38;
	[tilespmem:$0x13F00] =	vst v63  }
0xa6: {  	_ =	swait.ge [sflag:s21], $0x1000  }
0xa7: {  	[sflag:s21] =	ssyncset.done $0x0  }
0xa8: {  	[sflag:s21] =	ssyncadd.s32 $0xFFFFF000  }
0xa9: {  	[spmem:s17] =	stream.linear.scatter [tilespmem:s23], [sflag:$0x3], $0x1000, $0x38;
	[tilespmem:$0x13F00] =	vst v63  }
0xaa: {  	_ =	swait.ge [sflag:s21], $0x1000  }
0xab: {  	[sflag:s21] =	ssyncset.done $0x0  }
0xac: {  	[sflag:s21] =	ssyncadd.s32 $0xFFFFF000  }
0xad: {  	[spmem:s18] =	stream.linear.scatter [tilespmem:s23], [sflag:$0x3], $0x1000, $0x38;
	[tilespmem:$0x13F00] =	vst v63  }
0xae: {  	_ =	swait.ge [sflag:s21], $0x1000  }
0xaf: {  	[sflag:s21] =	ssyncset.done $0x0  }
0xb0: {  	[sflag:s21] =	ssyncadd.s32 $0xFFFFF000  }
0xb1: {  	[spmem:s19] =	stream.linear.scatter [tilespmem:s23], [sflag:$0x3], $0x1000, $0x38;
	[tilespmem:$0x13F00] =	vst v63  }
0xb2: {  	_ =	swait.ge [sflag:s21], $0x1000  }
0xb3: {  	[sflag:s21] =	ssyncset.done $0x0  }
0xb4: {  	[sflag:s21] =	ssyncadd.s32 $0xFFFFF000  }
0xb5: {  	[spmem:s20] =	stream.linear.scatter [tilespmem:s23], [sflag:$0x3], $0x1000, $0x38;
	[tilespmem:$0x13F00] =	vst v63  }
0xb6: {  	_ =	swait.ge [sflag:s21], $0x1000  }
0xb7: {  	[sflag:s21] =	ssyncset.done $0x0  }
0xb8: {  	[sflag:s21] =	ssyncadd.s32 $0xFFFFF000  }
0xb9: {  	s9 =	simm.s32 $0x0;
	[bflag:$0x0] =	sbarrier.arrive $0xFFFF  }
0xba: {  	[tilespmem:s25], [sflag:$0x1] =	stream.indirect.gather [hbm4b:s2+s24], $0x40, s9, s24, $0xb8;
	[tilespmem:$0x13F00] =	vst v63  }
0xbb: {  	_ = 	snop  }
0xbc: {  	[tilespmem:s26], [sflag:$0x2] =	stream.indirect.gather [hbm4b:s2+s24], $0x40, s24, s24, $0xb8;
	[tilespmem:$0x13F00] =	vst v63  }
0xbd: {  	_ =	swait.ge [sflag:s28], $0x2000  }
0xbe: {  	[sflag:s28] =	ssyncset.done $0x0  }
0xbf: {  	s10 =	simm.s32 $0x2780;
	[sflag:s28] =	ssyncadd.s32 $0xFFFFE000  }
0xc0: {  	[spmem:s4] =	stream.indirect.scatter.add.f32 [tilespmem:s25], [sflag:$0x3], $0x40, s10, s24, $0xb8;
	[tilespmem:$0x13F00] =	vst v63  }
0xc1: {  	_ =	swait.ge [sflag:s21], $0x2000  }
0xc2: {  	[sflag:s21] =	ssyncset.done $0x0  }
0xc3: {  	s9 =	simm.s32 $0x100;
	[sflag:s21] =	ssyncadd.s32 $0xFFFFE000  }
0xc4: {  	[tilespmem:s25], [sflag:$0x1] =	stream.indirect.gather [hbm4b:s2+s24], $0x40, s9, s24, $0xb8;
	[tilespmem:$0x13F00] =	vst v63  }
0xc5: {  	_ =	swait.ge [sflag:s29], $0x2000  }
0xc6: {  	[sflag:s29] =	ssyncset.done $0x0  }
0xc7: {  	s10 =	simm.s32 $0x2800;
	[sflag:s29] =	ssyncadd.s32 $0xFFFFE000  }
0xc8: {  	[spmem:s4] =	stream.indirect.scatter.add.f32 [tilespmem:s26], [sflag:$0x3], $0x40, s10, s24, $0xb8;
	[tilespmem:$0x13F00] =	vst v63  }
0xc9: {  	_ =	swait.ge [sflag:s21], $0x2000  }
0xca: {  	[sflag:s21] =	ssyncset.done $0x0  }
0xcb: {  	s7 =	simm.s32 $0x400;
	s9 =	simm.s32 $0x180;
	[sflag:s21] =	ssyncadd.s32 $0xFFFFE000  }
.LBB2_6:
0xcc: {  	[tilespmem:s26], [sflag:$0x2] =	stream.indirect.gather [hbm4b:s2+s24], $0x40, s9, s24, $0xb8;
	[tilespmem:$0x13F00] =	vst v63  }
0xcd: {  	s9 =	smov.u32 s7  }
0xce: {  	p0 =	sne.s32 s7, $0x9400;
	s7 =	sadd.s32 $0x400, s7;
	_ =	swait.ge [sflag:s28], $0x2000  }
0xcf: {  	s9 =	sshra.s32 s9, $0x2;
	[sflag:s28] =	ssyncset.done $0x0  }
0xd0: {  	s10 =	sadd.s32 $0x2780, s9;
	[sflag:s28] =	ssyncadd.s32 $0xFFFFE000  }
0xd1: {  	[spmem:s4] =	stream.indirect.scatter.add.f32 [tilespmem:s25], [sflag:$0x3], $0x40, s10, s24, $0xb8;
	[tilespmem:$0x13F00] =	vst v63  }
0xd2: {  	_ =	swait.ge [sflag:s21], $0x2000  }
0xd3: {  	[sflag:s21] =	ssyncset.done $0x0  }
0xd4: {  	s10 =	sadd.s32 $0x100, s9;
	[sflag:s21] =	ssyncadd.s32 $0xFFFFE000  }
0xd5: {  	[tilespmem:s25], [sflag:$0x1] =	stream.indirect.gather [hbm4b:s2+s24], $0x40, s10, s24, $0xb8;
	[tilespmem:$0x13F00] =	vst v63  }
0xd6: {  	_ =	swait.ge [sflag:s29], $0x2000  }
0xd7: {  	[sflag:s29] =	ssyncset.done $0x0  }
.Ltmp2:
0xd8: {  	s10 =	sadd.s32 $0x2800, s9;
	[sflag:s29] =	ssyncadd.s32 $0xFFFFE000;
	(pc) =	sbr.rel @p0 .LBB2_6-.Ltmp2, $4  }
0xd9: {  	[spmem:s4] =	stream.indirect.scatter.add.f32 [tilespmem:s26], [sflag:$0x3], $0x40, s10, s24, $0xb8;
	[tilespmem:$0x13F00] =	vst v63  }
0xda: {  	_ =	swait.ge [sflag:s21], $0x2000  }
0xdb: {  	[sflag:s21] =	ssyncset.done $0x0  }
0xdc: {  	s9 =	sadd.s32 $0x180, s9;
	[sflag:s21] =	ssyncadd.s32 $0xFFFFE000  }
0xdd: {  	[tilespmem:s26], [sflag:$0x2] =	stream.indirect.gather [hbm4b:s2+s24], $0x40, s9, s24, $0xb8;
	[tilespmem:$0x13F00] =	vst v63  }
0xde: {  	_ =	swait.ge [sflag:s28], $0x2000  }
0xdf: {  	[sflag:s28] =	ssyncset.done $0x0  }
0xe0: {  	[sflag:s28] =	ssyncadd.s32 $0xFFFFE000  }
0xe1: {  	[spmem:s4] =	stream.indirect.scatter.add.f32 [tilespmem:s25], [sflag:$0x3], $0x40, s30, s24, $0xb8;
	[tilespmem:$0x13F00] =	vst v63  }
0xe2: {  	_ =	swait.ge [sflag:s21], $0x2000  }
0xe3: {  	[sflag:s21] =	ssyncset.done $0x0  }
0xe4: {  	[sflag:s21] =	ssyncadd.s32 $0xFFFFE000  }
0xe5: {  	[tilespmem:s25], [sflag:$0x1] =	stream.indirect.gather [hbm4b:s2+s24], $0x40, s31, s24, $0xb8;
	[tilespmem:$0x13F00] =	vst v63  }
0xe6: {  	_ =	swait.ge [sflag:s29], $0x2000  }
0xe7: {  	[sflag:s29] =	ssyncset.done $0x0  }
0xe8: {  	[sflag:s29] =	ssyncadd.s32 $0xFFFFE000  }
0xe9: {  	[spmem:s4] =	stream.indirect.scatter.add.f32 [tilespmem:s26], [sflag:$0x3], $0x40, s0, s24, $0xb8;
	[tilespmem:$0x13F00] =	vst v63  }
0xea: {  	_ =	swait.ge [sflag:s21], $0x2000  }
0xeb: {  	[sflag:s21] =	ssyncset.done $0x0  }
0xec: {  	[sflag:s21] =	ssyncadd.s32 $0xFFFFE000  }
0xed: {  	_ =	swait.ge [sflag:s28], $0x2000  }
0xee: {  	[sflag:s28] =	ssyncset.done $0x0  }
0xef: {  	[sflag:s28] =	ssyncadd.s32 $0xFFFFE000  }
0xf0: {  	[spmem:s4] =	stream.indirect.scatter.add.f32 [tilespmem:s25], [sflag:$0x3], $0x40, s22, s24, $0xb8;
	[tilespmem:$0x13F00] =	vst v63  }
0xf1: {  	_ =	swait.ge [sflag:s21], $0x2000  }
0xf2: {  	[sflag:s21] =	ssyncset.done $0x0  }
0xf3: {  	s5 =	sadd.s32 $0x1, s5;
	[sflag:s21] =	ssyncadd.s32 $0xFFFFE000  }
0xf4: {  	p0 =	sne.s32 s5, s11;
	[bflag:$0x0] =	sbarrier.arrive $0xFFFF  }
.Ltmp3:
0xf5: {  	s7 =	rddreg [dreg:$0x8];
	(pc) =	sbr.rel @p0 .LBB2_1-.Ltmp3, $4  }
0xf6: {  	[hbm:s7], [sflag:s3] =	dma.local [spmem:s6], $0x1400  }
0xf7: {  	_ =	swait.ge [sflag:s21], $0x1400  }
0xf8: {  	[sflag:s21] =	ssyncset.done $0x0  }
0xf9: {  	[sflag:s21] =	ssyncadd.s32 $0xFFFFEC00  }
0xfa: {  	_ =	sfence.sel $0x180000  }
0xfb: {  	[bflag:$0x0] =	sbarrier.arrive $0xFFFF  }
0xfc: {  	_ =	strace $0x90000047  }
0xfd: {  	s0 =	stileid.u32;
	[bflag:$0x2] =	sbarrier.arrive $0xFFFF  }
0xfe: {  	p0 =	sne.s32 s0, $0x0;
	s0 =	rddreg [dreg:$0x4]  }
0xff: {  	s0 =	sadd.s32 @!p0 $0x100000, s0  }
0x100: {  	[sflag:s0] =	ssyncadd.tile.s32 @!p0 $0x1;
	_ =	shalt  }
.Lfunc_end2:
_tile_overlayer_lowered:
.L_overlay_start_2:
0x101: {  	(tag) =	ssettag $0x2  }
0x102: {  	s0 =	rddreg [dreg:$0x0];
	s2 =	stileid.u32  }
0x103: {  	s1 =	rddreg [dreg:$0x1];
	p0 =	sne.s32 s2, $0x0  }
0x104: {  	s3 =	rddreg [dreg:$0x2];
	[bflag:$0x3] =	sbarrier.arrive $0xFFFF;
	s2 =	simm.s32 @!p0 $0x1C03  }
0x105: {  	[timem:s3], [sflag:s2] =	dma.local @!p0 [hbm:s0], s1  }
0x106: {  	s0 =	simm.s32 @!p0 $0x3  }
0x107: {  	_ =	swait.ge @!p0 [sflag:s0], s1  }
0x108: {  	s1 =	ssub.s32 @!p0 $0x0, s1;
	[sflag:s0] =	ssyncset.done @!p0 $0x0  }
0x109: {  	[sflag:s0] =	ssyncadd.s32 @!p0 s1  }
0x10a: {  	[bflag:$0x3] =	sbarrier.arrive $0xFFFF  }
0x10b: {  	_ =	shalt  }

// kernel: kernel.9.cloned.1.call-start
scs
__scs_entry_jumppad:
0x0: {  	(pc) =	sbr.rel $0x88, $3  }
0x1: {  	(tag) =	ssettag $0x0;
	lr =	simm.s32 $0x1  }
0x2: {  	[smem:$0x3F88] =	sst lr;
	_ =	strace $0xD0000000  }
0x3: {  	_ = 	snop  }
0x4: {  	_ = 	snop  }
0x5: {  	_ = 	snop  }
0x6: {  	_ = 	snop  }
0x7: {  	_ = 	snop  }
__scs_overlays_trampoline_lowered:
0x8: {  	[smem:$0x3F97] =	sst s0  }
0x9: {  	[smem:$0x3F98] =	sst s1  }
0xa: {  	[smem:$0x3F99] =	sst s2  }
0xb: {  	[smem:$0x3F9A] =	sst s3  }
0xc: {  	[smem:$0x3F9B] =	sst s4  }
0xd: {  	[smem:$0x3F9C] =	sst s5  }
0xe: {  	[smem:$0x3F9D] =	sst s6  }
0xf: {  	[smem:$0x3F9E] =	sst s7  }
0x10: {  	[smem:$0x3F9F] =	sst s8  }
0x11: {  	[smem:$0x3FA0] =	sst s9;
	s0 =	simm.s32 @!p0 $0x0  }
0x12: {  	s1 =	sld [smem:$0x3F86];
	s0 =	simm.s32 @p0 $0x1  }
0x13: {  	[smem:$0x3FA1] =	sst s0;
	s0 =	simm.s32 @!p1 $0x0  }
0x14: {  	s2 =	sld [smem:$0x3F85];
	s0 =	simm.s32 @p1 $0x1  }
0x15: {  	[smem:$0x3FA2] =	sst s0;
	s0 =	simm.s32 @!p2 $0x0  }
0x16: {  	s3 =	sld [smem:$0x3FDB];
	s0 =	simm.s32 @p2 $0x1  }
0x17: {  	s4 =	simm.s32 $0x1BF5;
	[smem:$0x3FA4] =	sst s0  }
0x18: {  	s0 =	sld [smem:$0x3F87];
	_ =	swait.ge [sflag:s4], $0x0  }
0x19: {  	s7 =	sld [smem:$0x3F88]  }
0x1a: {  	s8 =	sadd.s32 $0xFFFFE003, lr  }
0x1b: {  	s9 =	sadd.s32 $0xFFFFFEF7, lr;
	s5 =	simm.s32 $0xFFFFFFFF;
	p2 =	slt.u32 s8, $0xFFFFF086  }
0x1c: {  	p1 =	slt.u32 s9, $0xF7A;
	s5 =	simm.s32 @!p2 $0x0  }
0x1d: {  	s5 =	simm.s32 @p1 $0x1;
	p0 =	seq.s32 s7, s2  }
0x1e: {  	s7 =	smul.u32 @!p0 $0xF7A, s2;
	p2 =	seq.s32 @!p0 s5, $0x0  }
0x1f: {  	s9 =	smul.u32 $0xF7A, s1;
	s8 =	simm.s32 @!p0 $0x1BF5;
	p2 =	por !p2, p0  }
0x20: {  	[sflag:s8] =	ssyncset.s32 @!p0 $0xFFFFF086;
	s6 =	sadd.s32 @!p0 s3, s7;
	s7 =	simm.s32 @!p0 $0x108  }
0x21: {  	s3 =	sadd.s32 s3, s9;
	s6 =	sadd.s32 @!p0 $0x88, s6;
	s7 =	simm.s32 @p2 $0x1082  }
0x22: {  	[simem:s7], [sflag:s8] =	dma.local @!p0 [hbm:s6], $0xF7A  }
0x23: {  	s9 =	sor.u32 $0xD0000000, s2;
	s6 =	simm.s32 $0x108;
	_ =	swait.ge @!p0 [sflag:s8], $0x0  }
0x24: {  	s3 =	sadd.s32 $0x88, s3;
	s6 =	simm.s32 @!p1 $0x1082;
	[sflag:s4] =	ssyncset.s32 $0xFFFFF086  }
0x25: {  	[simem:s6], [sflag:s4] =	dma.local [hbm:s3], $0xF7A  }
0x26: {  	[smem:$0x3F88] =	sst s1;
	(tag) =	ssettag s2;
	_ =	strace s9  }
0x27: {  	s1 =	sld [smem:$0x3F98]  }
0x28: {  	s2 =	sld [smem:$0x3F99]  }
0x29: {  	s4 =	sld [smem:$0x3F9B]  }
0x2a: {  	p0 =	seq.s32 s5, $0x0;
	s5 =	sld [smem:$0x3F9C]  }
0x2b: {  	s6 =	sld [smem:$0x3F9D]  }
0x2c: {  	s7 =	sld [smem:$0x3F9E]  }
0x2d: {  	s3 =	simm.s32 $0x108;
	s8 =	sld [smem:$0x3F9F]  }
0x2e: {  	s3 =	simm.s32 @!p0 $0x1082;
	s9 =	sld [smem:$0x3FA0]  }
0x2f: {  	lr =	sadd.s32 s0, s3;
	s0 =	sld [smem:$0x3F97]  }
0x30: {  	s3 =	sld [smem:$0x3F9A]  }
0x31: {  	[smem:$0x3FA3] =	sst s10  }
0x32: {  	s10 =	sld [smem:$0x3FA1];
	_ =	sdelay $0x3  }
0x33: {  	p0 =	seq.s32 s10, $0x1;
	s10 =	sld [smem:$0x3FA3];
	_ =	sdelay $0x3  }
0x34: {  	[smem:$0x3FA3] =	sst s10  }
0x35: {  	s10 =	sld [smem:$0x3FA2];
	_ =	sdelay $0x3  }
0x36: {  	p1 =	seq.s32 s10, $0x1;
	s10 =	sld [smem:$0x3FA3];
	_ =	sdelay $0x3  }
0x37: {  	[smem:$0x3FA3] =	sst s10  }
0x38: {  	s10 =	sld [smem:$0x3FA4]  }
0x39: {  	_ = 	snop;
	(pc) =	sbr.ind lr, $3  }
0x3a: {  	_ = 	snop  }
0x3b: {  	_ = 	snop  }
0x3c: {  	p2 =	seq.s32 s10, $0x1;
	s10 =	sld [smem:$0x3FA3]  }
0x3d: {  	_ =	shalt  }
0x3e: {  	_ =	shalt  }
0x3f: {  	_ =	shalt  }
0x40: {  	_ =	shalt  }
0x41: {  	_ =	shalt  }
0x42: {  	_ =	shalt  }
0x43: {  	_ =	shalt  }
0x44: {  	_ =	shalt  }
0x45: {  	_ =	shalt  }
0x46: {  	_ =	shalt  }
0x47: {  	_ =	shalt  }
0x48: {  	_ =	shalt  }
0x49: {  	_ =	shalt  }
0x4a: {  	_ =	shalt  }
0x4b: {  	_ =	shalt  }
0x4c: {  	_ =	shalt  }
0x4d: {  	_ =	shalt  }
0x4e: {  	_ =	shalt  }
0x4f: {  	_ =	shalt  }
0x50: {  	_ =	shalt  }
0x51: {  	_ =	shalt  }
0x52: {  	_ =	shalt  }
0x53: {  	_ =	shalt  }
0x54: {  	_ =	shalt  }
0x55: {  	_ =	shalt  }
0x56: {  	_ =	shalt  }
0x57: {  	_ =	shalt  }
0x58: {  	_ =	shalt  }
0x59: {  	_ =	shalt  }
0x5a: {  	_ =	shalt  }
0x5b: {  	_ =	shalt  }
0x5c: {  	_ =	shalt  }
0x5d: {  	_ =	shalt  }
0x5e: {  	_ =	shalt  }
0x5f: {  	_ =	shalt  }
0x60: {  	_ =	shalt  }
0x61: {  	_ =	shalt  }
0x62: {  	_ =	shalt  }
0x63: {  	_ =	shalt  }
0x64: {  	_ =	shalt  }
0x65: {  	_ =	shalt  }
0x66: {  	_ =	shalt  }
0x67: {  	_ =	shalt  }
0x68: {  	_ =	shalt  }
0x69: {  	_ =	shalt  }
0x6a: {  	_ =	shalt  }
0x6b: {  	_ =	shalt  }
0x6c: {  	_ =	shalt  }
0x6d: {  	_ =	shalt  }
0x6e: {  	_ =	shalt  }
0x6f: {  	_ =	shalt  }
0x70: {  	_ =	shalt  }
0x71: {  	_ =	shalt  }
0x72: {  	_ =	shalt  }
0x73: {  	_ =	shalt  }
0x74: {  	_ =	shalt  }
0x75: {  	_ =	shalt  }
0x76: {  	_ =	shalt  }
0x77: {  	_ =	shalt  }
0x78: {  	_ =	shalt  }
0x79: {  	_ =	shalt  }
0x7a: {  	_ =	shalt  }
0x7b: {  	_ =	shalt  }
0x7c: {  	_ =	shalt  }
0x7d: {  	_ =	shalt  }
0x7e: {  	_ =	shalt  }
0x7f: {  	_ =	shalt  }
0x80: {  	_ =	shalt  }
0x81: {  	_ =	shalt  }
0x82: {  	_ =	shalt  }
0x83: {  	_ =	shalt  }
0x84: {  	_ =	shalt  }
0x85: {  	_ =	shalt  }
0x86: {  	_ =	shalt  }
0x87: {  	_ =	shalt  }
.Lfunc_end0:
.L_simem_size_0:
called_computation.1_lowered:
.L_overlay_start_0:
0x88: {  	s2 =	sld [smem:$0x3FD9]  }
0x89: {  	s3 =	sld [smem:$0x3FFE];
	_ =	sdelay $0x1  }
0x8a: {  	s1 =	srdreg.scid  }
0x8b: {  	s0 =	sand.u32 $0x1, s1  }
0x8c: {  	s14 =	sshll.u32 s0, $0xA;
	s2 =	sadd.s32 s3, s2  }
0x8d: {  	s2 =	sadd.s32 s2, s14  }
0x8e: {  	[smem:$0x3FAF] =	sst s2  }
0x8f: {  	_ = 	snop  }
0x90: {  	s2 =	sld [smem:$0x3FD0];
	_ =	sdelay $0x2  }
0x91: {  	s15 =	simm.s32 $0xA;
	s4 =	simm.s32 $0x10  }
0x92: {  	[smem:s4], [sflag:s15] =	dma.local [hbm:s2], $0x1  }
0x93: {  	_ =	swait.eq [sflag:s15], $0x1  }
0x94: {  	[sflag:s15] =	ssyncset.done $0x0  }
0x95: {  	[sflag:s15] =	ssyncadd.s32 $0xFFFFFFFF  }
0x96: {  	s16 =	sld [smem:$0x12];
	(tm) =	ssettm $0x1  }
0x97: {  	s17 =	sld [smem:$0x3FFB];
	_ =	sdelay $0x3  }
0x98: {  	_ =	strace s17  }
0x99: {  	s3 =	sld [smem:$0x3FFC];
	_ =	sdelay $0x3  }
0x9a: {  	_ =	strace s3  }
0x9b: {  	s3 =	sld [smem:$0x3FFD];
	_ =	sdelay $0x3  }
0x9c: {  	_ =	strace s3  }
0x9d: {  	_ =	strace $0x8FFFFFFF  }
0x9e: {  	s18 =	sld [smem:$0x3FDB];
	_ =	sdelay $0x1  }
0x9f: {  	s19 =	simm.s32 $_scs_section_size  }
0xa0: {  	s5 =	simm.s32 $_size__tile_overlayer_lowered;
	s6 =	simm.s32 $_tile_overlayer_lowered  }
0xa1: {  	s22 =	simm.s32 $0x1BFF;
	s21 =	sshll.u32 s6, $0x1;
	s3 =	sadd.s32 s19, s18  }
0xa2: {  	s7 =	simm.s32 $0x0;
	s20 =	sshll.u32 s5, $0x1;
	s5 =	sadd.s32 s21, s3  }
0xa3: {  	[timem:s7], [sflag:s22] =	dma.local [hbm:s5], s20  }
0xa4: {  	_ =	swait.ge [sflag:s22], s20  }
0xa5: {  	s4 =	ssub.s32 $0x0, s20;
	[sflag:s22] =	ssyncset.done $0x0  }
0xa6: {  	[sflag:s22] =	ssyncadd.s32 s4;
	_ =	sdelay $0x1  }
0xa7: {  	s23 =	simm.s32 $0x1B8B  }
0xa8: {  	_ =	swait.ge [sflag:s23], $0x1  }
0xa9: {  	[sflag:s23] =	ssyncset.done $0x0  }
0xaa: {  	s25 =	simm.s32 $0x1B8E;
	s24 =	sld [smem:$0x3FFE];
	[sflag:s23] =	ssyncadd.s32 $0xFFFFFFFF  }
0xab: {  	s26 =	simm.s32 $execute0_lowered;
	[smem:$0x3FD2] =	sst s25  }
0xac: {  	s5 =	sshll.u32 s26, $0x1;
	_ =	strace $0x80000049;
	[dreg:$0x1] =	wrdreg $0xFFFFFFFF  }
0xad: {  	s28 =	simm.s32 $_size_execute0_lowered;
	s3 =	sadd.s32 s3, s5;
	[dreg:$0x0] =	wrdreg $0x0  }
0xae: {  	s5 =	sshll.u32 s28, $0x1;
	[dreg:$0x2] =	wrdreg s3  }
0xaf: {  	[dreg:$0x3] =	wrdreg s5  }
0xb0: {  	[dreg:$0x4] =	wrdreg $0xC0  }
0xb1: {  	_ =	task [dreg:s7], $0x5FFFF  }
0xb2: {  	[dreg:$0x1] =	wrdreg $0xFFFFFFFF  }
0xb3: {  	[dreg:$0x0] =	wrdreg $0x60  }
0xb4: {  	[dreg:$0x2] =	wrdreg s16  }
0xb5: {  	[dreg:$0x3] =	wrdreg s24  }
0xb6: {  	[dreg:$0x4] =	wrdreg $0x9F000  }
0xb7: {  	[dreg:$0x5] =	wrdreg $0x9  }
0xb8: {  	_ =	task.clear_ibuf [dreg:s7], $0x6FFFF;
	_ =	strace $0x90000049  }
0xb9: {  	s29 =	simm.s32 $0x9;
	_ =	strace $0x8000004B  }
0xba: {  	_ =	swait.ge [sflag:s29], $0x1  }
0xbb: {  	[sflag:s29] =	ssyncadd.s32 $0xFFFFFFFF  }
0xbc: {  	_ =	strace $0x9000004B  }
0xbd: {  	_ =	sfence  }
0xbe: {  	s30 =	sld [smem:$0x0];
	_ =	sdelay $0x2  }
0xbf: {  	s31 =	sshll.u32 s1, $0xD;
	s1 =	sshrl.u32 s1, $0x2  }
0xc0: {  	s3 =	sand.u32 $0x4000, s31;
	s1 =	sadd.s32 s1, s30  }
0xc1: {  	s0 =	sor.u32 s3, s0;
	s1 =	sshll.u32 s1, $0x11  }
0xc2: {  	s0 =	sor.u32 s1, s0  }
0xc3: {  	s0 =	sadd.s32 $0x8F2B, s0  }
0xc4: {  	[sflag:s0] =	ssyncadd.remote.s32 $0x1  }
0xc5: {  	_ =	sfence.sel $0xFFFF  }
0xc6: {  	[dreg:$0x0] =	wrdreg $0xFFFFFFFF;
	(pc) =	sbr.abs _section_cstart, $3  }
0xc7: {  	[dreg:$0x1] =	wrdreg $0xFFFFFFFF  }
0xc8: {  	_ =	task.clear_ibuf [dreg:s7], $0x2FFFF;
	_ =	strace $0x9FFFFFFF  }
0xc9: {  	(tm) =	ssettm $0x7FFFFFFF  }
tec
execute0_lowered:
.L_overlay_start_1:
0x0: {  	(tag) =	ssettag $0x1  }
0x1: {  	s1 =	rddreg [dreg:$0x0]  }
0x2: {  	s0 =	rddreg [dreg:$0x1]  }
0x3: {  	s3 =	rddreg [dreg:$0x2]  }
0x4: {  	s2 =	srdreg.scid;
	s9 =	stileid.u32;
	s4 =	simm.s32 $0x0  }
0x5: {  	s21 =	simm.s32 $0x3;
	s28 =	simm.s32 $0x1;
	s29 =	simm.s32 $0x2  }
0x6: {  	s30 =	simm.s32 $0x4D80;
	s31 =	simm.s32 $0x2700;
	s6 =	smul.u32 $0x280, s9  }
0x7: {  	s2 =	sand.u32 $0x1, s2;
	[smem:$0x7FF] =	sst s4;
	s22 =	smul.u32 $0x28000, s9  }
0x8: {  	s5 =	sshll.u32 s2, $0x4;
	s8 =	smul.u32 $0x5000, s2;
	_ =	strace $0x8000004A  }
0x9: {  	s2 =	ssub.s32 $0x2, s2;
	s7 =	sor.u32 s9, s5;
	s5 =	sadd.s32 $0x17800, s0  }
0xa: {  	s23 =	sshrl.u32 s2, $0x1;
	s24 =	sshrl.u32 s22, $0x2;
	s22 =	simm.s32 $0x4E80  }
0xb: {  	s7 =	smul.u32 $0x4F0, s7;
	s6 =	sadd.s32 s6, s8;
	s2 =	ssub.s32 s2, s23  }
0xc: {  	s8 =	sadd.s32 s24, s3;
	s23 =	simm.s32 $0x8F00;
	s24 =	simm.s32 $0x80  }
0xd: {  	s6 =	sshll.u32 s6, $0x3;
	s11 =	smax.u32 s2, $0x1;
	s12 =	sadd.s32 $0x1000, s8  }
0xe: {  	s13 =	sadd.s32 $0x2000, s8;
	s14 =	sadd.s32 $0x3000, s8;
	s7 =	sadd.s32 s7, s0  }
0xf: {  	s15 =	sadd.s32 $0x4000, s8;
	s16 =	sadd.s32 $0x5000, s8;
	s25 =	sadd.s32 $0xDA00, s7  }
0x10: {  	s0 =	sadd.s32 s6, s0;
	s7 =	sadd.s32 $0x3C00, s7;
	[dreg:$0x4] =	wrdreg s25  }
0x11: {  	s17 =	sadd.s32 $0x6000, s8;
	s26 =	sadd.s32 $0x2B200, s0;
	[dreg:$0x5] =	wrdreg s7  }
0x12: {  	s18 =	sadd.s32 $0x7000, s8;
	s0 =	sadd.s32 $0x3F200, s0;
	[dreg:$0x6] =	wrdreg s26  }
0x13: {  	s19 =	sadd.s32 $0x8000, s8;
	s20 =	sadd.s32 $0x9000, s8;
	[dreg:$0x7] =	wrdreg s0  }
0x14: {  	v0 =	vimm.f32 $0.0e+00;
	s25 =	simm.s32 $0x4F00;
	s26 =	simm.s32 $0x6F00;
	s0 =	simm.s32 $0x4E00  }
.LBB2_1:
0x15: {  	s6 =	simm.s32 $0x100;
	s2 =	simm.s32 $0x0  }
.LBB2_2:
0x16: {  	p0 =	sne.s32 s6, $0x3F00;
	[tilespmem:s2+$0x8F30] =	vst v0;
	s7 =	smov.u32 s6;
	s6 =	sadd.s32 $0x100, s6  }
.Ltmp0:
0x17: {  	[tilespmem:s2+$0x8F20] =	vst v0;
	(pc) =	sbr.rel @p0 .LBB2_2-.Ltmp0, $3  }
0x18: {  	[tilespmem:s2+$0x8F00] =	vst v0  }
0x19: {  	[tilespmem:s2+$0x8F10] =	vst v0;
	_ =	sdelay $0x1  }
0x1a: {  	s2 =	sshra.s32 s7, $0x2  }
0x1b: {  	[tilespmem:s2+$0x8F30] =	vst v0  }
0x1c: {  	[tilespmem:s2+$0x8F20] =	vst v0  }
0x1d: {  	[tilespmem:s2+$0x8F00] =	vst v0  }
0x1e: {  	[tilespmem:s2+$0x8F10] =	vst v0;
	s9 =	simm.s32 $0x0;
	s6 =	rddreg [dreg:$0x4]  }
0x1f: {  	[tilespmem:s9], [sflag:$0x3] =	stream.linear.gather [hbm4b:s6+s9], $0x2780, $0x38;
	[tilespmem:$0x13F00] =	vst v63  }
0x20: {  	_ =	swait.ge [sflag:s21], $0x2780  }
0x21: {  	[sflag:s21] =	ssyncset.done $0x0  }
0x22: {  	s7 =	simm.s32 $0x2780;
	s10 =	rddreg [dreg:$0x5];
	[sflag:s21] =	ssyncadd.s32 $0xFFFFD880  }
0x23: {  	[tilespmem:s7], [sflag:$0x3] =	stream.linear.gather [hbm4b:s10+s9], $0x2780, $0x38;
	[tilespmem:$0x13F00] =	vst v63  }
0x24: {  	_ =	swait.ge [sflag:s21], $0x2780  }
0x25: {  	[sflag:s21] =	ssyncset.done $0x0  }
0x26: {  	[sflag:s21] =	ssyncadd.s32 $0xFFFFD880  }
0x27: {  	[spmem:s8] =	stream.linear.scatter [tilespmem:s23], [sflag:$0x3], $0x1000, $0x38;
	[tilespmem:$0x13F00] =	vst v63  }
0x28: {  	_ =	swait.ge [sflag:s21], $0x1000  }
0x29: {  	[sflag:s21] =	ssyncset.done $0x0  }
0x2a: {  	[sflag:s21] =	ssyncadd.s32 $0xFFFFF000  }
0x2b: {  	[spmem:s12] =	stream.linear.scatter [tilespmem:s23], [sflag:$0x3], $0x1000, $0x38;
	[tilespmem:$0x13F00] =	vst v63  }
0x2c: {  	_ =	swait.ge [sflag:s21], $0x1000  }
0x2d: {  	[sflag:s21] =	ssyncset.done $0x0  }
0x2e: {  	[sflag:s21] =	ssyncadd.s32 $0xFFFFF000  }
0x2f: {  	[spmem:s13] =	stream.linear.scatter [tilespmem:s23], [sflag:$0x3], $0x1000, $0x38;
	[tilespmem:$0x13F00] =	vst v63  }
0x30: {  	_ =	swait.ge [sflag:s21], $0x1000  }
0x31: {  	[sflag:s21] =	ssyncset.done $0x0  }
0x32: {  	[sflag:s21] =	ssyncadd.s32 $0xFFFFF000  }
0x33: {  	[spmem:s14] =	stream.linear.scatter [tilespmem:s23], [sflag:$0x3], $0x1000, $0x38;
	[tilespmem:$0x13F00] =	vst v63  }
0x34: {  	_ =	swait.ge [sflag:s21], $0x1000  }
0x35: {  	[sflag:s21] =	ssyncset.done $0x0  }
0x36: {  	[sflag:s21] =	ssyncadd.s32 $0xFFFFF000  }
0x37: {  	[spmem:s15] =	stream.linear.scatter [tilespmem:s23], [sflag:$0x3], $0x1000, $0x38;
	[tilespmem:$0x13F00] =	vst v63  }
0x38: {  	_ =	swait.ge [sflag:s21], $0x1000  }
0x39: {  	[sflag:s21] =	ssyncset.done $0x0  }
0x3a: {  	[sflag:s21] =	ssyncadd.s32 $0xFFFFF000  }
0x3b: {  	[spmem:s16] =	stream.linear.scatter [tilespmem:s23], [sflag:$0x3], $0x1000, $0x38;
	[tilespmem:$0x13F00] =	vst v63  }
0x3c: {  	_ =	swait.ge [sflag:s21], $0x1000  }
0x3d: {  	[sflag:s21] =	ssyncset.done $0x0  }
0x3e: {  	[sflag:s21] =	ssyncadd.s32 $0xFFFFF000  }
0x3f: {  	[spmem:s17] =	stream.linear.scatter [tilespmem:s23], [sflag:$0x3], $0x1000, $0x38;
	[tilespmem:$0x13F00] =	vst v63  }
0x40: {  	_ =	swait.ge [sflag:s21], $0x1000  }
0x41: {  	[sflag:s21] =	ssyncset.done $0x0  }
0x42: {  	[sflag:s21] =	ssyncadd.s32 $0xFFFFF000  }
0x43: {  	[spmem:s18] =	stream.linear.scatter [tilespmem:s23], [sflag:$0x3], $0x1000, $0x38;
	[tilespmem:$0x13F00] =	vst v63  }
0x44: {  	_ =	swait.ge [sflag:s21], $0x1000  }
0x45: {  	[sflag:s21] =	ssyncset.done $0x0  }
0x46: {  	[sflag:s21] =	ssyncadd.s32 $0xFFFFF000  }
0x47: {  	[spmem:s19] =	stream.linear.scatter [tilespmem:s23], [sflag:$0x3], $0x1000, $0x38;
	[tilespmem:$0x13F00] =	vst v63  }
0x48: {  	_ =	swait.ge [sflag:s21], $0x1000  }
0x49: {  	[sflag:s21] =	ssyncset.done $0x0  }
0x4a: {  	[sflag:s21] =	ssyncadd.s32 $0xFFFFF000  }
0x4b: {  	[spmem:s20] =	stream.linear.scatter [tilespmem:s23], [sflag:$0x3], $0x1000, $0x38;
	[tilespmem:$0x13F00] =	vst v63  }
0x4c: {  	_ =	swait.ge [sflag:s21], $0x1000  }
0x4d: {  	[sflag:s21] =	ssyncset.done $0x0  }
0x4e: {  	[sflag:s21] =	ssyncadd.s32 $0xFFFFF000  }
0x4f: {  	[bflag:$0x0] =	sbarrier.arrive $0xFFFF  }
0x50: {  	[tilespmem:s25], [sflag:$0x1] =	stream.indirect.gather [hbm4b:s1+s24], $0x40, s9, s24, $0xb8;
	[tilespmem:$0x13F00] =	vst v63  }
0x51: {  	_ = 	snop  }
0x52: {  	[tilespmem:s26], [sflag:$0x2] =	stream.indirect.gather [hbm4b:s1+s24], $0x40, s24, s24, $0xb8;
	[tilespmem:$0x13F00] =	vst v63  }
0x53: {  	_ =	swait.ge [sflag:s28], $0x2000  }
0x54: {  	[sflag:s28] =	ssyncset.done $0x0  }
0x55: {  	s7 =	simm.s32 $0x2780;
	[sflag:s28] =	ssyncadd.s32 $0xFFFFE000  }
0x56: {  	[spmem:s3] =	stream.indirect.scatter.add.f32 [tilespmem:s25], [sflag:$0x3], $0x40, s7, s24, $0xb8;
	[tilespmem:$0x13F00] =	vst v63  }
0x57: {  	_ =	swait.ge [sflag:s21], $0x2000  }
0x58: {  	[sflag:s21] =	ssyncset.done $0x0  }
0x59: {  	s9 =	simm.s32 $0x100;
	[sflag:s21] =	ssyncadd.s32 $0xFFFFE000  }
0x5a: {  	[tilespmem:s25], [sflag:$0x1] =	stream.indirect.gather [hbm4b:s1+s24], $0x40, s9, s24, $0xb8;
	[tilespmem:$0x13F00] =	vst v63  }
0x5b: {  	_ =	swait.ge [sflag:s29], $0x2000  }
0x5c: {  	[sflag:s29] =	ssyncset.done $0x0  }
0x5d: {  	s10 =	simm.s32 $0x2800;
	[sflag:s29] =	ssyncadd.s32 $0xFFFFE000  }
0x5e: {  	[spmem:s3] =	stream.indirect.scatter.add.f32 [tilespmem:s26], [sflag:$0x3], $0x40, s10, s24, $0xb8;
	[tilespmem:$0x13F00] =	vst v63  }
0x5f: {  	_ =	swait.ge [sflag:s21], $0x2000  }
0x60: {  	[sflag:s21] =	ssyncset.done $0x0  }
0x61: {  	s2 =	simm.s32 $0x400;
	s6 =	simm.s32 $0x180;
	[sflag:s21] =	ssyncadd.s32 $0xFFFFE000  }
.LBB2_4:
0x62: {  	[tilespmem:s26], [sflag:$0x2] =	stream.indirect.gather [hbm4b:s1+s24], $0x40, s6, s24, $0xb8;
	[tilespmem:$0x13F00] =	vst v63  }
0x63: {  	s6 =	smov.u32 s2  }
0x64: {  	p0 =	sne.s32 s2, $0x9400;
	s2 =	sadd.s32 $0x400, s2;
	_ =	swait.ge [sflag:s28], $0x2000  }
0x65: {  	s6 =	sshra.s32 s6, $0x2;
	[sflag:s28] =	ssyncset.done $0x0  }
0x66: {  	s7 =	sadd.s32 $0x2780, s6;
	[sflag:s28] =	ssyncadd.s32 $0xFFFFE000  }
0x67: {  	[spmem:s3] =	stream.indirect.scatter.add.f32 [tilespmem:s25], [sflag:$0x3], $0x40, s7, s24, $0xb8;
	[tilespmem:$0x13F00] =	vst v63  }
0x68: {  	_ =	swait.ge [sflag:s21], $0x2000  }
0x69: {  	[sflag:s21] =	ssyncset.done $0x0  }
0x6a: {  	s7 =	sadd.s32 $0x100, s6;
	[sflag:s21] =	ssyncadd.s32 $0xFFFFE000  }
0x6b: {  	[tilespmem:s25], [sflag:$0x1] =	stream.indirect.gather [hbm4b:s1+s24], $0x40, s7, s24, $0xb8;
	[tilespmem:$0x13F00] =	vst v63  }
0x6c: {  	_ =	swait.ge [sflag:s29], $0x2000  }
0x6d: {  	[sflag:s29] =	ssyncset.done $0x0  }
.Ltmp1:
0x6e: {  	s7 =	sadd.s32 $0x2800, s6;
	[sflag:s29] =	ssyncadd.s32 $0xFFFFE000;
	(pc) =	sbr.rel @p0 .LBB2_4-.Ltmp1, $4  }
0x6f: {  	[spmem:s3] =	stream.indirect.scatter.add.f32 [tilespmem:s26], [sflag:$0x3], $0x40, s7, s24, $0xb8;
	[tilespmem:$0x13F00] =	vst v63  }
0x70: {  	_ =	swait.ge [sflag:s21], $0x2000  }
0x71: {  	[sflag:s21] =	ssyncset.done $0x0  }
0x72: {  	s6 =	sadd.s32 $0x180, s6;
	[sflag:s21] =	ssyncadd.s32 $0xFFFFE000  }
0x73: {  	[tilespmem:s26], [sflag:$0x2] =	stream.indirect.gather [hbm4b:s1+s24], $0x40, s6, s24, $0xb8;
	[tilespmem:$0x13F00] =	vst v63  }
0x74: {  	_ =	swait.ge [sflag:s28], $0x2000  }
0x75: {  	[sflag:s28] =	ssyncset.done $0x0  }
0x76: {  	[sflag:s28] =	ssyncadd.s32 $0xFFFFE000  }
0x77: {  	[spmem:s3] =	stream.indirect.scatter.add.f32 [tilespmem:s25], [sflag:$0x3], $0x40, s30, s24, $0xb8;
	[tilespmem:$0x13F00] =	vst v63  }
0x78: {  	_ =	swait.ge [sflag:s21], $0x2000  }
0x79: {  	[sflag:s21] =	ssyncset.done $0x0  }
0x7a: {  	[sflag:s21] =	ssyncadd.s32 $0xFFFFE000  }
0x7b: {  	[tilespmem:s25], [sflag:$0x1] =	stream.indirect.gather [hbm4b:s1+s24], $0x40, s31, s24, $0xb8;
	[tilespmem:$0x13F00] =	vst v63  }
0x7c: {  	_ =	swait.ge [sflag:s29], $0x2000  }
0x7d: {  	[sflag:s29] =	ssyncset.done $0x0  }
0x7e: {  	[sflag:s29] =	ssyncadd.s32 $0xFFFFE000  }
0x7f: {  	[spmem:s3] =	stream.indirect.scatter.add.f32 [tilespmem:s26], [sflag:$0x3], $0x40, s0, s24, $0xb8;
	[tilespmem:$0x13F00] =	vst v63  }
0x80: {  	_ =	swait.ge [sflag:s21], $0x2000  }
0x81: {  	[sflag:s21] =	ssyncset.done $0x0  }
0x82: {  	[sflag:s21] =	ssyncadd.s32 $0xFFFFE000  }
0x83: {  	_ =	swait.ge [sflag:s28], $0x2000  }
0x84: {  	[sflag:s28] =	ssyncset.done $0x0  }
0x85: {  	[sflag:s28] =	ssyncadd.s32 $0xFFFFE000  }
0x86: {  	[spmem:s3] =	stream.indirect.scatter.add.f32 [tilespmem:s25], [sflag:$0x3], $0x40, s22, s24, $0xb8;
	[tilespmem:$0x13F00] =	vst v63  }
0x87: {  	_ =	swait.ge [sflag:s21], $0x2000  }
0x88: {  	[sflag:s21] =	ssyncset.done $0x0  }
0x89: {  	s2 =	stileid.u32;
	[sflag:s21] =	ssyncadd.s32 $0xFFFFE000  }
0x8a: {  	s2 =	sshll.u32 s2, $0x6;
	[bflag:$0x0] =	sbarrier.arrive $0xFFFF  }
0x8b: {  	s6 =	sshrl.u32 s8, $0x3;
	s2 =	sor.u32 $0x1C03, s2;
	s7 =	rddreg [dreg:$0x6]  }
0x8c: {  	[hbm:s7], [sflag:s2] =	dma.local [spmem:s6], $0x1400  }
0x8d: {  	_ =	swait.ge [sflag:s21], $0x1400  }
0x8e: {  	[sflag:s21] =	ssyncset.done $0x0  }
0x8f: {  	[sflag:s21] =	ssyncadd.s32 $0xFFFFEC00  }
0x90: {  	[spmem:s8] =	stream.linear.scatter [tilespmem:s23], [sflag:$0x3], $0x1000, $0x38;
	[tilespmem:$0x13F00] =	vst v63  }
0x91: {  	_ =	swait.ge [sflag:s21], $0x1000  }
0x92: {  	[sflag:s21] =	ssyncset.done $0x0  }
0x93: {  	[sflag:s21] =	ssyncadd.s32 $0xFFFFF000  }
0x94: {  	[spmem:s12] =	stream.linear.scatter [tilespmem:s23], [sflag:$0x3], $0x1000, $0x38;
	[tilespmem:$0x13F00] =	vst v63  }
0x95: {  	_ =	swait.ge [sflag:s21], $0x1000  }
0x96: {  	[sflag:s21] =	ssyncset.done $0x0  }
0x97: {  	[sflag:s21] =	ssyncadd.s32 $0xFFFFF000  }
0x98: {  	[spmem:s13] =	stream.linear.scatter [tilespmem:s23], [sflag:$0x3], $0x1000, $0x38;
	[tilespmem:$0x13F00] =	vst v63  }
0x99: {  	_ =	swait.ge [sflag:s21], $0x1000  }
0x9a: {  	[sflag:s21] =	ssyncset.done $0x0  }
0x9b: {  	[sflag:s21] =	ssyncadd.s32 $0xFFFFF000  }
0x9c: {  	[spmem:s14] =	stream.linear.scatter [tilespmem:s23], [sflag:$0x3], $0x1000, $0x38;
	[tilespmem:$0x13F00] =	vst v63  }
0x9d: {  	_ =	swait.ge [sflag:s21], $0x1000  }
0x9e: {  	[sflag:s21] =	ssyncset.done $0x0  }
0x9f: {  	[sflag:s21] =	ssyncadd.s32 $0xFFFFF000  }
0xa0: {  	[spmem:s15] =	stream.linear.scatter [tilespmem:s23], [sflag:$0x3], $0x1000, $0x38;
	[tilespmem:$0x13F00] =	vst v63  }
0xa1: {  	_ =	swait.ge [sflag:s21], $0x1000  }
0xa2: {  	[sflag:s21] =	ssyncset.done $0x0  }
0xa3: {  	[sflag:s21] =	ssyncadd.s32 $0xFFFFF000  }
0xa4: {  	[spmem:s16] =	stream.linear.scatter [tilespmem:s23], [sflag:$0x3], $0x1000, $0x38;
	[tilespmem:$0x13F00] =	vst v63  }
0xa5: {  	_ =	swait.ge [sflag:s21], $0x1000  }
0xa6: {  	[sflag:s21] =	ssyncset.done $0x0  }
0xa7: {  	[sflag:s21] =	ssyncadd.s32 $0xFFFFF000  }
0xa8: {  	[spmem:s17] =	stream.linear.scatter [tilespmem:s23], [sflag:$0x3], $0x1000, $0x38;
	[tilespmem:$0x13F00] =	vst v63  }
0xa9: {  	_ =	swait.ge [sflag:s21], $0x1000  }
0xaa: {  	[sflag:s21] =	ssyncset.done $0x0  }
0xab: {  	[sflag:s21] =	ssyncadd.s32 $0xFFFFF000  }
0xac: {  	[spmem:s18] =	stream.linear.scatter [tilespmem:s23], [sflag:$0x3], $0x1000, $0x38;
	[tilespmem:$0x13F00] =	vst v63  }
0xad: {  	_ =	swait.ge [sflag:s21], $0x1000  }
0xae: {  	[sflag:s21] =	ssyncset.done $0x0  }
0xaf: {  	[sflag:s21] =	ssyncadd.s32 $0xFFFFF000  }
0xb0: {  	[spmem:s19] =	stream.linear.scatter [tilespmem:s23], [sflag:$0x3], $0x1000, $0x38;
	[tilespmem:$0x13F00] =	vst v63  }
0xb1: {  	_ =	swait.ge [sflag:s21], $0x1000  }
0xb2: {  	[sflag:s21] =	ssyncset.done $0x0  }
0xb3: {  	[sflag:s21] =	ssyncadd.s32 $0xFFFFF000  }
0xb4: {  	[spmem:s20] =	stream.linear.scatter [tilespmem:s23], [sflag:$0x3], $0x1000, $0x38;
	[tilespmem:$0x13F00] =	vst v63  }
0xb5: {  	_ =	swait.ge [sflag:s21], $0x1000  }
0xb6: {  	[sflag:s21] =	ssyncset.done $0x0  }
0xb7: {  	[sflag:s21] =	ssyncadd.s32 $0xFFFFF000  }
0xb8: {  	s9 =	simm.s32 $0x0;
	[bflag:$0x0] =	sbarrier.arrive $0xFFFF  }
0xb9: {  	[tilespmem:s25], [sflag:$0x1] =	stream.indirect.gather [hbm4b:s5+s24], $0x40, s9, s24, $0xb8;
	[tilespmem:$0x13F00] =	vst v63  }
0xba: {  	_ = 	snop  }
0xbb: {  	[tilespmem:s26], [sflag:$0x2] =	stream.indirect.gather [hbm4b:s5+s24], $0x40, s24, s24, $0xb8;
	[tilespmem:$0x13F00] =	vst v63  }
0xbc: {  	_ =	swait.ge [sflag:s28], $0x2000  }
0xbd: {  	[sflag:s28] =	ssyncset.done $0x0  }
0xbe: {  	s10 =	simm.s32 $0x2780;
	[sflag:s28] =	ssyncadd.s32 $0xFFFFE000  }
0xbf: {  	[spmem:s3] =	stream.indirect.scatter.add.f32 [tilespmem:s25], [sflag:$0x3], $0x40, s10, s24, $0xb8;
	[tilespmem:$0x13F00] =	vst v63  }
0xc0: {  	_ =	swait.ge [sflag:s21], $0x2000  }
0xc1: {  	[sflag:s21] =	ssyncset.done $0x0  }
0xc2: {  	s9 =	simm.s32 $0x100;
	[sflag:s21] =	ssyncadd.s32 $0xFFFFE000  }
0xc3: {  	[tilespmem:s25], [sflag:$0x1] =	stream.indirect.gather [hbm4b:s5+s24], $0x40, s9, s24, $0xb8;
	[tilespmem:$0x13F00] =	vst v63  }
0xc4: {  	_ =	swait.ge [sflag:s29], $0x2000  }
0xc5: {  	[sflag:s29] =	ssyncset.done $0x0  }
0xc6: {  	s10 =	simm.s32 $0x2800;
	[sflag:s29] =	ssyncadd.s32 $0xFFFFE000  }
0xc7: {  	[spmem:s3] =	stream.indirect.scatter.add.f32 [tilespmem:s26], [sflag:$0x3], $0x40, s10, s24, $0xb8;
	[tilespmem:$0x13F00] =	vst v63  }
0xc8: {  	_ =	swait.ge [sflag:s21], $0x2000  }
0xc9: {  	[sflag:s21] =	ssyncset.done $0x0  }
0xca: {  	s7 =	simm.s32 $0x400;
	s9 =	simm.s32 $0x180;
	[sflag:s21] =	ssyncadd.s32 $0xFFFFE000  }
.LBB2_6:
0xcb: {  	[tilespmem:s26], [sflag:$0x2] =	stream.indirect.gather [hbm4b:s5+s24], $0x40, s9, s24, $0xb8;
	[tilespmem:$0x13F00] =	vst v63  }
0xcc: {  	s9 =	smov.u32 s7  }
0xcd: {  	p0 =	sne.s32 s7, $0x9400;
	s7 =	sadd.s32 $0x400, s7;
	_ =	swait.ge [sflag:s28], $0x2000  }
0xce: {  	s9 =	sshra.s32 s9, $0x2;
	[sflag:s28] =	ssyncset.done $0x0  }
0xcf: {  	s10 =	sadd.s32 $0x2780, s9;
	[sflag:s28] =	ssyncadd.s32 $0xFFFFE000  }
0xd0: {  	[spmem:s3] =	stream.indirect.scatter.add.f32 [tilespmem:s25], [sflag:$0x3], $0x40, s10, s24, $0xb8;
	[tilespmem:$0x13F00] =	vst v63  }
0xd1: {  	_ =	swait.ge [sflag:s21], $0x2000  }
0xd2: {  	[sflag:s21] =	ssyncset.done $0x0  }
0xd3: {  	s10 =	sadd.s32 $0x100, s9;
	[sflag:s21] =	ssyncadd.s32 $0xFFFFE000  }
0xd4: {  	[tilespmem:s25], [sflag:$0x1] =	stream.indirect.gather [hbm4b:s5+s24], $0x40, s10, s24, $0xb8;
	[tilespmem:$0x13F00] =	vst v63  }
0xd5: {  	_ =	swait.ge [sflag:s29], $0x2000  }
0xd6: {  	[sflag:s29] =	ssyncset.done $0x0  }
.Ltmp2:
0xd7: {  	s10 =	sadd.s32 $0x2800, s9;
	[sflag:s29] =	ssyncadd.s32 $0xFFFFE000;
	(pc) =	sbr.rel @p0 .LBB2_6-.Ltmp2, $4  }
0xd8: {  	[spmem:s3] =	stream.indirect.scatter.add.f32 [tilespmem:s26], [sflag:$0x3], $0x40, s10, s24, $0xb8;
	[tilespmem:$0x13F00] =	vst v63  }
0xd9: {  	_ =	swait.ge [sflag:s21], $0x2000  }
0xda: {  	[sflag:s21] =	ssyncset.done $0x0  }
0xdb: {  	s9 =	sadd.s32 $0x180, s9;
	[sflag:s21] =	ssyncadd.s32 $0xFFFFE000  }
0xdc: {  	[tilespmem:s26], [sflag:$0x2] =	stream.indirect.gather [hbm4b:s5+s24], $0x40, s9, s24, $0xb8;
	[tilespmem:$0x13F00] =	vst v63  }
0xdd: {  	_ =	swait.ge [sflag:s28], $0x2000  }
0xde: {  	[sflag:s28] =	ssyncset.done $0x0  }
0xdf: {  	[sflag:s28] =	ssyncadd.s32 $0xFFFFE000  }
0xe0: {  	[spmem:s3] =	stream.indirect.scatter.add.f32 [tilespmem:s25], [sflag:$0x3], $0x40, s30, s24, $0xb8;
	[tilespmem:$0x13F00] =	vst v63  }
0xe1: {  	_ =	swait.ge [sflag:s21], $0x2000  }
0xe2: {  	[sflag:s21] =	ssyncset.done $0x0  }
0xe3: {  	[sflag:s21] =	ssyncadd.s32 $0xFFFFE000  }
0xe4: {  	[tilespmem:s25], [sflag:$0x1] =	stream.indirect.gather [hbm4b:s5+s24], $0x40, s31, s24, $0xb8;
	[tilespmem:$0x13F00] =	vst v63  }
0xe5: {  	_ =	swait.ge [sflag:s29], $0x2000  }
0xe6: {  	[sflag:s29] =	ssyncset.done $0x0  }
0xe7: {  	[sflag:s29] =	ssyncadd.s32 $0xFFFFE000  }
0xe8: {  	[spmem:s3] =	stream.indirect.scatter.add.f32 [tilespmem:s26], [sflag:$0x3], $0x40, s0, s24, $0xb8;
	[tilespmem:$0x13F00] =	vst v63  }
0xe9: {  	_ =	swait.ge [sflag:s21], $0x2000  }
0xea: {  	[sflag:s21] =	ssyncset.done $0x0  }
0xeb: {  	[sflag:s21] =	ssyncadd.s32 $0xFFFFE000  }
0xec: {  	_ =	swait.ge [sflag:s28], $0x2000  }
0xed: {  	[sflag:s28] =	ssyncset.done $0x0  }
0xee: {  	[sflag:s28] =	ssyncadd.s32 $0xFFFFE000  }
0xef: {  	[spmem:s3] =	stream.indirect.scatter.add.f32 [tilespmem:s25], [sflag:$0x3], $0x40, s22, s24, $0xb8;
	[tilespmem:$0x13F00] =	vst v63  }
0xf0: {  	_ =	swait.ge [sflag:s21], $0x2000  }
0xf1: {  	[sflag:s21] =	ssyncset.done $0x0  }
0xf2: {  	s4 =	sadd.s32 $0x1, s4;
	[sflag:s21] =	ssyncadd.s32 $0xFFFFE000  }
0xf3: {  	p0 =	sne.s32 s4, s11;
	[bflag:$0x0] =	sbarrier.arrive $0xFFFF  }
.Ltmp3:
0xf4: {  	s7 =	rddreg [dreg:$0x7];
	(pc) =	sbr.rel @p0 .LBB2_1-.Ltmp3, $4  }
0xf5: {  	[hbm:s7], [sflag:s2] =	dma.local [spmem:s6], $0x1400  }
0xf6: {  	_ =	swait.ge [sflag:s21], $0x1400  }
0xf7: {  	[sflag:s21] =	ssyncset.done $0x0  }
0xf8: {  	[sflag:s21] =	ssyncadd.s32 $0xFFFFEC00  }
0xf9: {  	_ =	sfence.sel $0x180000  }
0xfa: {  	[bflag:$0x0] =	sbarrier.arrive $0xFFFF  }
0xfb: {  	_ =	strace $0x9000004A  }
0xfc: {  	s0 =	stileid.u32;
	[bflag:$0x2] =	sbarrier.arrive $0xFFFF  }
0xfd: {  	p0 =	sne.s32 s0, $0x0;
	s0 =	rddreg [dreg:$0x3]  }
0xfe: {  	s0 =	sadd.s32 @!p0 $0x100000, s0  }
0xff: {  	[sflag:s0] =	ssyncadd.tile.s32 @!p0 $0x1;
	_ =	shalt  }
.Lfunc_end2:
_tile_overlayer_lowered:
.L_overlay_start_2:
0x100: {  	(tag) =	ssettag $0x2  }
0x101: {  	s0 =	rddreg [dreg:$0x0];
	s2 =	stileid.u32  }
0x102: {  	s1 =	rddreg [dreg:$0x1];
	p0 =	sne.s32 s2, $0x0  }
0x103: {  	s3 =	rddreg [dreg:$0x2];
	[bflag:$0x3] =	sbarrier.arrive $0xFFFF;
	s2 =	simm.s32 @!p0 $0x1C03  }
0x104: {  	[timem:s3], [sflag:s2] =	dma.local @!p0 [hbm:s0], s1  }
0x105: {  	s0 =	simm.s32 @!p0 $0x3  }
0x106: {  	_ =	swait.ge @!p0 [sflag:s0], s1  }
0x107: {  	s1 =	ssub.s32 @!p0 $0x0, s1;
	[sflag:s0] =	ssyncset.done @!p0 $0x0  }
0x108: {  	[sflag:s0] =	ssyncadd.s32 @!p0 s1  }
0x109: {  	[bflag:$0x3] =	sbarrier.arrive $0xFFFF  }
0x10a: {  	_ =	shalt  }

</sc_bundles>
